<compile_context>
chip_gen: v7x
topology: tpu7x:2x2x1
jax: 0.10.2.dev20260603
libtpu: 0.0.44.dev20260713+nightly
codegen_flags: <defaults>
</compile_context>

<pallas_src>
import functools

import jax
import jax.numpy as jnp
from jax import lax
from jax.experimental import pallas as pl
from jax.experimental.pallas import tpu as pltpu
from jax.experimental.pallas import tpu_sc as plsc

N = 3276800
NUM_BASINS = 1000
NC = 2
NS = 16
L = 16
NW = NC * NS
PER_W = N // NW
CHUNK = 12800
NCHUNK = PER_W // CHUNK

_mesh = plsc.VectorSubcoreMesh(
    core_axis_name="c", subcore_axis_name="s", num_cores=NC, num_subcores=NS
)


@functools.partial(
    pl.kernel,
    out_type=jax.ShapeDtypeStruct((NW, L), jnp.float32),
    mesh=_mesh,
    scratch_types=[
        pltpu.VMEM((NUM_BASINS,), jnp.float32),
        pltpu.VMEM((2, CHUNK), jnp.float32),
        pltpu.VMEM((2, CHUNK), jnp.float32),
        pltpu.VMEM((2, CHUNK), jnp.int32),
        pltpu.VMEM((L,), jnp.float32),
        pltpu.SemaphoreType.DMA,
        pltpu.SemaphoreType.DMA,
    ],
    compiler_params=pltpu.CompilerParams(needs_layout_passes=False),
)
def _nmse_partials(
    y_pred, y_true, basin, weights, out, w_v, p_v, t_v, b_v, o_v, sem0, sem1
):
    wid = lax.axis_index("s") * NC + lax.axis_index("c")
    base = wid * PER_W
    pltpu.sync_copy(weights, w_v)
    sems = (sem0, sem1)

    def start(slot, g):
        off = base + g * CHUNK
        pltpu.async_copy(y_pred.at[pl.ds(off, CHUNK)], p_v.at[slot], sems[slot])
        pltpu.async_copy(y_true.at[pl.ds(off, CHUNK)], t_v.at[slot], sems[slot])
        pltpu.async_copy(basin.at[pl.ds(off, CHUNK)], b_v.at[slot], sems[slot])

    def wait(slot, g):
        off = base + g * CHUNK
        pltpu.make_async_copy(y_pred.at[pl.ds(off, CHUNK)], p_v.at[slot], sems[slot]).wait()
        pltpu.make_async_copy(y_true.at[pl.ds(off, CHUNK)], t_v.at[slot], sems[slot]).wait()
        pltpu.make_async_copy(basin.at[pl.ds(off, CHUNK)], b_v.at[slot], sems[slot]).wait()

    def compute(slot, acc):
        nacc = 8

        @plsc.parallel_loop(
            0, CHUNK, step=nacc * L, unroll=2,
            carry=(acc,) + tuple(jnp.zeros((L,), jnp.float32) for _ in range(nacc - 1)),
        )
        def accs(i, accs):
            out = []
            for k in range(nacc):
                s = pl.ds(i + k * L, L)
                idx = b_v[slot, s]
                p = p_v[slot, s]
                t = t_v[slot, s]
                w = plsc.load_gather(w_v, [idx])
                d = p - t
                out.append(accs[k] + w * (d * d))
            return tuple(out)

        total = accs[0]
        for k in range(1, nacc):
            total = total + accs[k]
        return total

    start(0, 0)

    def step(s, acc):
        g0 = 2 * s
        start(1, g0 + 1)
        wait(0, g0)
        acc = compute(0, acc)

        @pl.when(g0 + 2 < NCHUNK)
        def _():
            start(0, g0 + 2)

        wait(1, g0 + 1)
        return compute(1, acc)

    acc = lax.fori_loop(0, NCHUNK // 2, step, jnp.zeros((L,), jnp.float32))
    o_v[...] = acc
    pltpu.sync_copy(o_v, out.at[wid])


def kernel(y_pred, y_true, basin, weights):
    partials = _nmse_partials(y_pred, y_true, basin.astype(jnp.int32), weights)
    return jnp.sum(partials) / jnp.float32(N)

# --- scband reference (transcript-rebuilt; emitter-appended) ---
"""Pipeline reference for scband-nmseloss-43654047596648 (READ-ONLY COPY).

The authoritative reference and input builder live on the scoring server;
editing this copy changes nothing except your own understanding.
"""

import jax, jax.numpy as jnp
import numpy as np

N = 3276800
NUM_BASINS = 1000

def setup_inputs(seed: int = 0) -> dict:
    key = jax.random.key(seed)
    k1, k2, k3, k4 = jax.random.split(key, 4)
    y_pred = jax.random.normal(k1, (N,), dtype=jnp.float32)
    y_true = jax.random.normal(k2, (N,), dtype=jnp.float32)
    basin = jax.random.randint(k3, (N,), 0, NUM_BASINS, dtype=jnp.int64 if jax.config.jax_enable_x64 else jnp.int32)
    # precomputed per-basin weights = 1 / (y_mean + eps)^2; materialize as a positive parameter
    weights = jax.random.uniform(k4, (NUM_BASINS,), dtype=jnp.float32, minval=0.01, maxval=1.0)
    return {"y_pred": y_pred, "y_true": y_true, "basin": basin, "weights": weights}

def reference(y_pred, y_true, basin, weights):
    # Faithful translation of NMSELoss.forward:
    # squared_error = (y_pred - y_true) ** 2
    # scaled_loss = weights[basin] * squared_error
    # return mean(scaled_loss)
    squared_error = (y_pred - y_true) ** 2
    scaled_loss = jnp.take(weights, basin, axis=0) * squared_error
    return jnp.mean(scaled_loss)

if __name__ == "__main__":
    import jax
    _d = setup_inputs()
    print(jax.jit(kernel)(*tuple(_d.values())))

</pallas_src>

<mosaic_0001>
#map = affine_map<(d0, d1) -> (0)>
#map1 = affine_map<(d0, d1) -> (0, 0)>
module attributes {stable_mosaic.version = 14 : i64} {
  func.func @_nmse_partials(%arg0: i32, %arg1: i32, %arg2: memref<3276800xf32, #tpu.memory_space<hbm>>, %arg3: memref<3276800xf32, #tpu.memory_space<hbm>>, %arg4: memref<3276800xi32, #tpu.memory_space<hbm>>, %arg5: memref<1000xf32, #tpu.memory_space<hbm>>, %arg6: memref<32x16xf32, #tpu.memory_space<hbm>>, %arg7: memref<1000xf32, #tpu.memory_space<vmem>>, %arg8: memref<2x12800xf32, #tpu.memory_space<vmem>>, %arg9: memref<2x12800xf32, #tpu.memory_space<vmem>>, %arg10: memref<2x12800xi32, #tpu.memory_space<vmem>>, %arg11: memref<16xf32, #tpu.memory_space<vmem>>, %arg12: memref<!tpu.dma_semaphore, #tpu.memory_space<semaphore_mem>>, %arg13: memref<!tpu.dma_semaphore, #tpu.memory_space<semaphore_mem>>) attributes {dimension_semantics = [#tpu.dimension_semantics<core_parallel>, #tpu.dimension_semantics<subcore_parallel>], iteration_bounds = array<i64: 2, 16>, scalar_prefetch = 0 : i64, scratch_operands = 7 : i64, tpu.core_type = #tpu.core_type<sc_vector_subcore>, window_params = [{transform_indices = #map}, {transform_indices = #map}, {transform_indices = #map}, {transform_indices = #map}, {transform_indices = #map1}]} {
    %mul3A = arith.constant 2 : i32
    %mul3A_0 = arith.muli %arg1, %mul3A : i32
    %add3A = arith.addi %mul3A_0, %arg0 : i32
    %mul3A_1 = arith.constant 102400 : i32
    %mul3A_2 = arith.muli %add3A, %mul3A_1 : i32
    "tpu.region"() ({
      %run_scoped3A = tpu.sem_alloc : memref<!tpu.dma_semaphore, #tpu.memory_space<semaphore_mem>>
      tpu.enqueue_dma source(%arg5 : memref<1000xf32, #tpu.memory_space<hbm>>) target(%arg7 : memref<1000xf32, #tpu.memory_space<vmem>>) target_semaphore(%run_scoped3A : memref<!tpu.dma_semaphore, #tpu.memory_space<semaphore_mem>>)
      tpu.wait_dma2 semaphore(%run_scoped3A : memref<!tpu.dma_semaphore, #tpu.memory_space<semaphore_mem>>) src(%arg5 : memref<1000xf32, #tpu.memory_space<hbm>>) dst(%arg7 : memref<1000xf32, #tpu.memory_space<vmem>>)
      tpu.yield
    }) : () -> ()
    %add3A_3 = arith.constant 0 : i32
    %add3A_4 = arith.addi %mul3A_2, %add3A_3 : i32
    %dma_start3A = arith.constant 0 : i32
    %dma_start3A_5 = arith.constant 0 : i32
    %dma_start3A_6 = tpu.memref_slice %arg8[%dma_start3A, %dma_start3A_5] : memref<2x12800xf32, #tpu.memory_space<vmem>> -> memref<1x12800xf32, #tpu.memory_space<vmem>>
    %dma_start3A_7 = tpu.memref_squeeze %dma_start3A_6 : memref<1x12800xf32, #tpu.memory_space<vmem>> -> memref<12800xf32, #tpu.memory_space<vmem>>
    %dma_start3A_8 = tpu.memref_slice %arg2[%add3A_4] : memref<3276800xf32, #tpu.memory_space<hbm>> -> memref<12800xf32, #tpu.memory_space<hbm>>
    %dma_start3A_9 = arith.constant 0 : i32
    %dma_start3A_10 = tpu.memref_slice %arg8[%dma_start3A, %dma_start3A_9] : memref<2x12800xf32, #tpu.memory_space<vmem>> -> memref<1x12800xf32, #tpu.memory_space<vmem>>
    %dma_start3A_11 = tpu.memref_squeeze %dma_start3A_10 : memref<1x12800xf32, #tpu.memory_space<vmem>> -> memref<12800xf32, #tpu.memory_space<vmem>>
    %dma_start3A_12 = tpu.memref_slice %arg2[%add3A_4] : memref<3276800xf32, #tpu.memory_space<hbm>> -> memref<12800xf32, #tpu.memory_space<hbm>>
    tpu.enqueue_dma source(%dma_start3A_12 : memref<12800xf32, #tpu.memory_space<hbm>>) target(%dma_start3A_11 : memref<12800xf32, #tpu.memory_space<vmem>>) target_semaphore(%arg12 : memref<!tpu.dma_semaphore, #tpu.memory_space<semaphore_mem>>)
    %dma_start3A_13 = arith.constant 0 : i32
    %dma_start3A_14 = arith.constant 0 : i32
    %dma_start3A_15 = tpu.memref_slice %arg9[%dma_start3A_13, %dma_start3A_14] : memref<2x12800xf32, #tpu.memory_space<vmem>> -> memref<1x12800xf32, #tpu.memory_space<vmem>>
    %dma_start3A_16 = tpu.memref_squeeze %dma_start3A_15 : memref<1x12800xf32, #tpu.memory_space<vmem>> -> memref<12800xf32, #tpu.memory_space<vmem>>
    %dma_start3A_17 = tpu.memref_slice %arg3[%add3A_4] : memref<3276800xf32, #tpu.memory_space<hbm>> -> memref<12800xf32, #tpu.memory_space<hbm>>
    %dma_start3A_18 = arith.constant 0 : i32
    %dma_start3A_19 = tpu.memref_slice %arg9[%dma_start3A_13, %dma_start3A_18] : memref<2x12800xf32, #tpu.memory_space<vmem>> -> memref<1x12800xf32, #tpu.memory_space<vmem>>
    %dma_start3A_20 = tpu.memref_squeeze %dma_start3A_19 : memref<1x12800xf32, #tpu.memory_space<vmem>> -> memref<12800xf32, #tpu.memory_space<vmem>>
    %dma_start3A_21 = tpu.memref_slice %arg3[%add3A_4] : memref<3276800xf32, #tpu.memory_space<hbm>> -> memref<12800xf32, #tpu.memory_space<hbm>>
    tpu.enqueue_dma source(%dma_start3A_21 : memref<12800xf32, #tpu.memory_space<hbm>>) target(%dma_start3A_20 : memref<12800xf32, #tpu.memory_space<vmem>>) target_semaphore(%arg12 : memref<!tpu.dma_semaphore, #tpu.memory_space<semaphore_mem>>)
    %dma_start3A_22 = arith.constant 0 : i32
    %dma_start3A_23 = arith.constant 0 : i32
    %dma_start3A_24 = tpu.memref_slice %arg10[%dma_start3A_22, %dma_start3A_23] : memref<2x12800xi32, #tpu.memory_space<vmem>> -> memref<1x12800xi32, #tpu.memory_space<vmem>>
    %dma_start3A_25 = tpu.memref_squeeze %dma_start3A_24 : memref<1x12800xi32, #tpu.memory_space<vmem>> -> memref<12800xi32, #tpu.memory_space<vmem>>
    %dma_start3A_26 = tpu.memref_slice %arg4[%add3A_4] : memref<3276800xi32, #tpu.memory_space<hbm>> -> memref<12800xi32, #tpu.memory_space<hbm>>
    %dma_start3A_27 = arith.constant 0 : i32
    %dma_start3A_28 = tpu.memref_slice %arg10[%dma_start3A_22, %dma_start3A_27] : memref<2x12800xi32, #tpu.memory_space<vmem>> -> memref<1x12800xi32, #tpu.memory_space<vmem>>
    %dma_start3A_29 = tpu.memref_squeeze %dma_start3A_28 : memref<1x12800xi32, #tpu.memory_space<vmem>> -> memref<12800xi32, #tpu.memory_space<vmem>>
    %dma_start3A_30 = tpu.memref_slice %arg4[%add3A_4] : memref<3276800xi32, #tpu.memory_space<hbm>> -> memref<12800xi32, #tpu.memory_space<hbm>>
    tpu.enqueue_dma source(%dma_start3A_30 : memref<12800xi32, #tpu.memory_space<hbm>>) target(%dma_start3A_29 : memref<12800xi32, #tpu.memory_space<vmem>>) target_semaphore(%arg12 : memref<!tpu.dma_semaphore, #tpu.memory_space<semaphore_mem>>)
    %broadcast_in_dim3A = arith.constant 0.000000e+00 : f32
    %broadcast_in_dim3A_31 = vector.broadcast %broadcast_in_dim3A : f32 to vector<16xf32>
    %scan3A = arith.constant 0 : i32
    %scan3A_32 = arith.constant 4 : i32
    %scan3A_33 = arith.addi %scan3A, %scan3A_32 : i32
    %scan3A_34 = arith.constant 1 : i32
    %scan3A_35 = scf.for %scan3A_38 = %scan3A to %scan3A_33 step %scan3A_34 iter_args(%scan3A_39 = %broadcast_in_dim3A_31) -> (vector<16xf32>)  : i32 {
      %mul3A_40 = arith.constant 2 : i32
      %mul3A_41 = arith.muli %mul3A_40, %scan3A_38 : i32
      %add3A_42 = arith.constant 1 : i32
      %add3A_43 = arith.addi %mul3A_41, %add3A_42 : i32
      %mul3A_44 = arith.constant 12800 : i32
      %mul3A_45 = arith.muli %add3A_43, %mul3A_44 : i32
      %add3A_46 = arith.addi %mul3A_2, %mul3A_45 : i32
      %dma_start3A_47 = arith.constant 1 : i32
      %dma_start3A_48 = arith.constant 0 : i32
      %dma_start3A_49 = tpu.memref_slice %arg8[%dma_start3A_47, %dma_start3A_48] : memref<2x12800xf32, #tpu.memory_space<vmem>> -> memref<1x12800xf32, #tpu.memory_space<vmem>>
      %dma_start3A_50 = tpu.memref_squeeze %dma_start3A_49 : memref<1x12800xf32, #tpu.memory_space<vmem>> -> memref<12800xf32, #tpu.memory_space<vmem>>
      %dma_start3A_51 = tpu.memref_slice %arg2[%add3A_46] : memref<3276800xf32, #tpu.memory_space<hbm>> -> memref<12800xf32, #tpu.memory_space<hbm>>
      %dma_start3A_52 = arith.constant 0 : i32
      %dma_start3A_53 = tpu.memref_slice %arg8[%dma_start3A_47, %dma_start3A_52] : memref<2x12800xf32, #tpu.memory_space<vmem>> -> memref<1x12800xf32, #tpu.memory_space<vmem>>
      %dma_start3A_54 = tpu.memref_squeeze %dma_start3A_53 : memref<1x12800xf32, #tpu.memory_space<vmem>> -> memref<12800xf32, #tpu.memory_space<vmem>>
      %dma_start3A_55 = tpu.memref_slice %arg2[%add3A_46] : memref<3276800xf32, #tpu.memory_space<hbm>> -> memref<12800xf32, #tpu.memory_space<hbm>>
      tpu.enqueue_dma source(%dma_start3A_55 : memref<12800xf32, #tpu.memory_space<hbm>>) target(%dma_start3A_54 : memref<12800xf32, #tpu.memory_space<vmem>>) target_semaphore(%arg13 : memref<!tpu.dma_semaphore, #tpu.memory_space<semaphore_mem>>)
      %dma_start3A_56 = arith.constant 1 : i32
      %dma_start3A_57 = arith.constant 0 : i32
      %dma_start3A_58 = tpu.memref_slice %arg9[%dma_start3A_56, %dma_start3A_57] : memref<2x12800xf32, #tpu.memory_space<vmem>> -> memref<1x12800xf32, #tpu.memory_space<vmem>>
      %dma_start3A_59 = tpu.memref_squeeze %dma_start3A_58 : memref<1x12800xf32, #tpu.memory_space<vmem>> -> memref<12800xf32, #tpu.memory_space<vmem>>
      %dma_start3A_60 = tpu.memref_slice %arg3[%add3A_46] : memref<3276800xf32, #tpu.memory_space<hbm>> -> memref<12800xf32, #tpu.memory_space<hbm>>
      %dma_start3A_61 = arith.constant 0 : i32
      %dma_start3A_62 = tpu.memref_slice %arg9[%dma_start3A_56, %dma_start3A_61] : memref<2x12800xf32, #tpu.memory_space<vmem>> -> memref<1x12800xf32, #tpu.memory_space<vmem>>
      %dma_start3A_63 = tpu.memref_squeeze %dma_start3A_62 : memref<1x12800xf32, #tpu.memory_space<vmem>> -> memref<12800xf32, #tpu.memory_space<vmem>>
      %dma_start3A_64 = tpu.memref_slice %arg3[%add3A_46] : memref<3276800xf32, #tpu.memory_space<hbm>> -> memref<12800xf32, #tpu.memory_space<hbm>>
      tpu.enqueue_dma source(%dma_start3A_64 : memref<12800xf32, #tpu.memory_space<hbm>>) target(%dma_start3A_63 : memref<12800xf32, #tpu.memory_space<vmem>>) target_semaphore(%arg13 : memref<!tpu.dma_semaphore, #tpu.memory_space<semaphore_mem>>)
      %dma_start3A_65 = arith.constant 1 : i32
      %dma_start3A_66 = arith.constant 0 : i32
      %dma_start3A_67 = tpu.memref_slice %arg10[%dma_start3A_65, %dma_start3A_66] : memref<2x12800xi32, #tpu.memory_space<vmem>> -> memref<1x12800xi32, #tpu.memory_space<vmem>>
      %dma_start3A_68 = tpu.memref_squeeze %dma_start3A_67 : memref<1x12800xi32, #tpu.memory_space<vmem>> -> memref<12800xi32, #tpu.memory_space<vmem>>
      %dma_start3A_69 = tpu.memref_slice %arg4[%add3A_46] : memref<3276800xi32, #tpu.memory_space<hbm>> -> memref<12800xi32, #tpu.memory_space<hbm>>
      %dma_start3A_70 = arith.constant 0 : i32
      %dma_start3A_71 = tpu.memref_slice %arg10[%dma_start3A_65, %dma_start3A_70] : memref<2x12800xi32, #tpu.memory_space<vmem>> -> memref<1x12800xi32, #tpu.memory_space<vmem>>
      %dma_start3A_72 = tpu.memref_squeeze %dma_start3A_71 : memref<1x12800xi32, #tpu.memory_space<vmem>> -> memref<12800xi32, #tpu.memory_space<vmem>>
      %dma_start3A_73 = tpu.memref_slice %arg4[%add3A_46] : memref<3276800xi32, #tpu.memory_space<hbm>> -> memref<12800xi32, #tpu.memory_space<hbm>>
      tpu.enqueue_dma source(%dma_start3A_73 : memref<12800xi32, #tpu.memory_space<hbm>>) target(%dma_start3A_72 : memref<12800xi32, #tpu.memory_space<vmem>>) target_semaphore(%arg13 : memref<!tpu.dma_semaphore, #tpu.memory_space<semaphore_mem>>)
      %mul3A_74 = arith.constant 12800 : i32
      %mul3A_75 = arith.muli %mul3A_41, %mul3A_74 : i32
      %add3A_76 = arith.addi %mul3A_2, %mul3A_75 : i32
      %dma_wait3A = arith.constant 0 : i32
      %dma_wait3A_77 = arith.constant 0 : i32
      %dma_wait3A_78 = tpu.memref_slice %arg8[%dma_wait3A, %dma_wait3A_77] : memref<2x12800xf32, #tpu.memory_space<vmem>> -> memref<1x12800xf32, #tpu.memory_space<vmem>>
      %dma_wait3A_79 = tpu.memref_squeeze %dma_wait3A_78 : memref<1x12800xf32, #tpu.memory_space<vmem>> -> memref<12800xf32, #tpu.memory_space<vmem>>
      %dma_wait3A_80 = tpu.memref_slice %arg2[%add3A_76] : memref<3276800xf32, #tpu.memory_space<hbm>> -> memref<12800xf32, #tpu.memory_space<hbm>>
      %dma_wait3A_81 = arith.constant 0 : i32
      %dma_wait3A_82 = tpu.memref_slice %arg8[%dma_wait3A, %dma_wait3A_81] : memref<2x12800xf32, #tpu.memory_space<vmem>> -> memref<1x12800xf32, #tpu.memory_space<vmem>>
      %dma_wait3A_83 = tpu.memref_squeeze %dma_wait3A_82 : memref<1x12800xf32, #tpu.memory_space<vmem>> -> memref<12800xf32, #tpu.memory_space<vmem>>
      %dma_wait3A_84 = tpu.memref_slice %arg2[%add3A_76] : memref<3276800xf32, #tpu.memory_space<hbm>> -> memref<12800xf32, #tpu.memory_space<hbm>>
      tpu.wait_dma2 semaphore(%arg12 : memref<!tpu.dma_semaphore, #tpu.memory_space<semaphore_mem>>) src(%dma_wait3A_84 : memref<12800xf32, #tpu.memory_space<hbm>>) dst(%dma_wait3A_83 : memref<12800xf32, #tpu.memory_space<vmem>>)
      %dma_wait3A_85 = arith.constant 0 : i32
      %dma_wait3A_86 = arith.constant 0 : i32
      %dma_wait3A_87 = tpu.memref_slice %arg9[%dma_wait3A_85, %dma_wait3A_86] : memref<2x12800xf32, #tpu.memory_space<vmem>> -> memref<1x12800xf32, #tpu.memory_space<vmem>>
      %dma_wait3A_88 = tpu.memref_squeeze %dma_wait3A_87 : memref<1x12800xf32, #tpu.memory_space<vmem>> -> memref<12800xf32, #tpu.memory_space<vmem>>
      %dma_wait3A_89 = tpu.memref_slice %arg3[%add3A_76] : memref<3276800xf32, #tpu.memory_space<hbm>> -> memref<12800xf32, #tpu.memory_space<hbm>>
      %dma_wait3A_90 = arith.constant 0 : i32
      %dma_wait3A_91 = tpu.memref_slice %arg9[%dma_wait3A_85, %dma_wait3A_90] : memref<2x12800xf32, #tpu.memory_space<vmem>> -> memref<1x12800xf32, #tpu.memory_space<vmem>>
      %dma_wait3A_92 = tpu.memref_squeeze %dma_wait3A_91 : memref<1x12800xf32, #tpu.memory_space<vmem>> -> memref<12800xf32, #tpu.memory_space<vmem>>
      %dma_wait3A_93 = tpu.memref_slice %arg3[%add3A_76] : memref<3276800xf32, #tpu.memory_space<hbm>> -> memref<12800xf32, #tpu.memory_space<hbm>>
      tpu.wait_dma2 semaphore(%arg12 : memref<!tpu.dma_semaphore, #tpu.memory_space<semaphore_mem>>) src(%dma_wait3A_93 : memref<12800xf32, #tpu.memory_space<hbm>>) dst(%dma_wait3A_92 : memref<12800xf32, #tpu.memory_space<vmem>>)
      %dma_wait3A_94 = arith.constant 0 : i32
      %dma_wait3A_95 = arith.constant 0 : i32
      %dma_wait3A_96 = tpu.memref_slice %arg10[%dma_wait3A_94, %dma_wait3A_95] : memref<2x12800xi32, #tpu.memory_space<vmem>> -> memref<1x12800xi32, #tpu.memory_space<vmem>>
      %dma_wait3A_97 = tpu.memref_squeeze %dma_wait3A_96 : memref<1x12800xi32, #tpu.memory_space<vmem>> -> memref<12800xi32, #tpu.memory_space<vmem>>
      %dma_wait3A_98 = tpu.memref_slice %arg4[%add3A_76] : memref<3276800xi32, #tpu.memory_space<hbm>> -> memref<12800xi32, #tpu.memory_space<hbm>>
      %dma_wait3A_99 = arith.constant 0 : i32
      %dma_wait3A_100 = tpu.memref_slice %arg10[%dma_wait3A_94, %dma_wait3A_99] : memref<2x12800xi32, #tpu.memory_space<vmem>> -> memref<1x12800xi32, #tpu.memory_space<vmem>>
      %dma_wait3A_101 = tpu.memref_squeeze %dma_wait3A_100 : memref<1x12800xi32, #tpu.memory_space<vmem>> -> memref<12800xi32, #tpu.memory_space<vmem>>
      %dma_wait3A_102 = tpu.memref_slice %arg4[%add3A_76] : memref<3276800xi32, #tpu.memory_space<hbm>> -> memref<12800xi32, #tpu.memory_space<hbm>>
      tpu.wait_dma2 semaphore(%arg12 : memref<!tpu.dma_semaphore, #tpu.memory_space<semaphore_mem>>) src(%dma_wait3A_102 : memref<12800xi32, #tpu.memory_space<hbm>>) dst(%dma_wait3A_101 : memref<12800xi32, #tpu.memory_space<vmem>>)
      %broadcast_in_dim3A_103 = arith.constant 0.000000e+00 : f32
      %broadcast_in_dim3A_104 = vector.broadcast %broadcast_in_dim3A_103 : f32 to vector<16xf32>
      %broadcast_in_dim3A_105 = arith.constant 0.000000e+00 : f32
      %broadcast_in_dim3A_106 = vector.broadcast %broadcast_in_dim3A_105 : f32 to vector<16xf32>
      %broadcast_in_dim3A_107 = arith.constant 0.000000e+00 : f32
      %broadcast_in_dim3A_108 = vector.broadcast %broadcast_in_dim3A_107 : f32 to vector<16xf32>
      %broadcast_in_dim3A_109 = arith.constant 0.000000e+00 : f32
      %broadcast_in_dim3A_110 = vector.broadcast %broadcast_in_dim3A_109 : f32 to vector<16xf32>
      %broadcast_in_dim3A_111 = arith.constant 0.000000e+00 : f32
      %broadcast_in_dim3A_112 = vector.broadcast %broadcast_in_dim3A_111 : f32 to vector<16xf32>
      %broadcast_in_dim3A_113 = arith.constant 0.000000e+00 : f32
      %broadcast_in_dim3A_114 = vector.broadcast %broadcast_in_dim3A_113 : f32 to vector<16xf32>
      %broadcast_in_dim3A_115 = arith.constant 0.000000e+00 : f32
      %broadcast_in_dim3A_116 = vector.broadcast %broadcast_in_dim3A_115 : f32 to vector<16xf32>
      %parallel_loop3A = arith.constant 0 : i32
      %parallel_loop3A_117 = arith.constant 12800 : i32
      %parallel_loop3A_118 = arith.constant 128 : i32
      %parallel_loop3A_119:8 = scf.for %parallel_loop3A_188 = %parallel_loop3A to %parallel_loop3A_117 step %parallel_loop3A_118 iter_args(%parallel_loop3A_189 = %scan3A_39, %parallel_loop3A_190 = %broadcast_in_dim3A_104, %parallel_loop3A_191 = %broadcast_in_dim3A_106, %parallel_loop3A_192 = %broadcast_in_dim3A_108, %parallel_loop3A_193 = %broadcast_in_dim3A_110, %parallel_loop3A_194 = %broadcast_in_dim3A_112, %parallel_loop3A_195 = %broadcast_in_dim3A_114, %parallel_loop3A_196 = %broadcast_in_dim3A_116) -> (vector<16xf32>, vector<16xf32>, vector<16xf32>, vector<16xf32>, vector<16xf32>, vector<16xf32>, vector<16xf32>, vector<16xf32>)  : i32 {
        %parallel_loop3A_197 = arith.constant 0 : i32
        %parallel_loop3A_198 = arith.addi %parallel_loop3A_188, %parallel_loop3A_197 : i32
        %parallel_loop3A_199 = arith.constant 0 : i32
        %parallel_loop3A_200 = arith.index_cast %parallel_loop3A_199 : i32 to index
        %parallel_loop3A_201 = arith.index_cast %parallel_loop3A_198 : i32 to index
        %parallel_loop3A_202 = tpu.vector_load %arg10[%parallel_loop3A_200, %parallel_loop3A_201] {strides = array<i32>} : memref<2x12800xi32, #tpu.memory_space<vmem>>, vector<16xi32>,
        %parallel_loop3A_203 = arith.constant 0 : i32
        %parallel_loop3A_204 = arith.index_cast %parallel_loop3A_203 : i32 to index
        %parallel_loop3A_205 = arith.index_cast %parallel_loop3A_198 : i32 to index
        %parallel_loop3A_206 = tpu.vector_load %arg8[%parallel_loop3A_204, %parallel_loop3A_205] {strides = array<i32>} : memref<2x12800xf32, #tpu.memory_space<vmem>>, vector<16xf32>,
        %parallel_loop3A_207 = arith.constant 0 : i32
        %parallel_loop3A_208 = arith.index_cast %parallel_loop3A_207 : i32 to index
        %parallel_loop3A_209 = arith.index_cast %parallel_loop3A_198 : i32 to index
        %parallel_loop3A_210 = tpu.vector_load %arg9[%parallel_loop3A_208, %parallel_loop3A_209] {strides = array<i32>} : memref<2x12800xf32, #tpu.memory_space<vmem>>, vector<16xf32>,
        %parallel_loop3A_211 = tpu.vector_load_idx %arg7[%parallel_loop3A_202] : memref<1000xf32, #tpu.memory_space<vmem>>[vector<16xi32>], vector<16xf32>,
        %parallel_loop3A_212 = arith.subf %parallel_loop3A_206, %parallel_loop3A_210 : vector<16xf32>
        %parallel_loop3A_213 = arith.mulf %parallel_loop3A_212, %parallel_loop3A_212 : vector<16xf32>
        %parallel_loop3A_214 = arith.mulf %parallel_loop3A_211, %parallel_loop3A_213 : vector<16xf32>
        %parallel_loop3A_215 = arith.addf %parallel_loop3A_189, %parallel_loop3A_214 : vector<16xf32>
        %parallel_loop3A_216 = arith.constant 16 : i32
        %parallel_loop3A_217 = arith.addi %parallel_loop3A_188, %parallel_loop3A_216 : i32
        %parallel_loop3A_218 = arith.constant 0 : i32
        %parallel_loop3A_219 = arith.index_cast %parallel_loop3A_218 : i32 to index
        %parallel_loop3A_220 = arith.index_cast %parallel_loop3A_217 : i32 to index
        %parallel_loop3A_221 = tpu.vector_load %arg10[%parallel_loop3A_219, %parallel_loop3A_220] {strides = array<i32>} : memref<2x12800xi32, #tpu.memory_space<vmem>>, vector<16xi32>,
        %parallel_loop3A_222 = arith.constant 0 : i32
        %parallel_loop3A_223 = arith.index_cast %parallel_loop3A_222 : i32 to index
        %parallel_loop3A_224 = arith.index_cast %parallel_loop3A_217 : i32 to index
        %parallel_loop3A_225 = tpu.vector_load %arg8[%parallel_loop3A_223, %parallel_loop3A_224] {strides = array<i32>} : memref<2x12800xf32, #tpu.memory_space<vmem>>, vector<16xf32>,
        %parallel_loop3A_226 = arith.constant 0 : i32
        %parallel_loop3A_227 = arith.index_cast %parallel_loop3A_226 : i32 to index
        %parallel_loop3A_228 = arith.index_cast %parallel_loop3A_217 : i32 to index
        %parallel_loop3A_229 = tpu.vector_load %arg9[%parallel_loop3A_227, %parallel_loop3A_228] {strides = array<i32>} : memref<2x12800xf32, #tpu.memory_space<vmem>>, vector<16xf32>,
        %parallel_loop3A_230 = tpu.vector_load_idx %arg7[%parallel_loop3A_221] : memref<1000xf32, #tpu.memory_space<vmem>>[vector<16xi32>], vector<16xf32>,
        %parallel_loop3A_231 = arith.subf %parallel_loop3A_225, %parallel_loop3A_229 : vector<16xf32>
        %parallel_loop3A_232 = arith.mulf %parallel_loop3A_231, %parallel_loop3A_231 : vector<16xf32>
        %parallel_loop3A_233 = arith.mulf %parallel_loop3A_230, %parallel_loop3A_232 : vector<16xf32>
        %parallel_loop3A_234 = arith.addf %parallel_loop3A_190, %parallel_loop3A_233 : vector<16xf32>
        %parallel_loop3A_235 = arith.constant 32 : i32
        %parallel_loop3A_236 = arith.addi %parallel_loop3A_188, %parallel_loop3A_235 : i32
        %parallel_loop3A_237 = arith.constant 0 : i32
        %parallel_loop3A_238 = arith.index_cast %parallel_loop3A_237 : i32 to index
        %parallel_loop3A_239 = arith.index_cast %parallel_loop3A_236 : i32 to index
        %parallel_loop3A_240 = tpu.vector_load %arg10[%parallel_loop3A_238, %parallel_loop3A_239] {strides = array<i32>} : memref<2x12800xi32, #tpu.memory_space<vmem>>, vector<16xi32>,
        %parallel_loop3A_241 = arith.constant 0 : i32
        %parallel_loop3A_242 = arith.index_cast %parallel_loop3A_241 : i32 to index
        %parallel_loop3A_243 = arith.index_cast %parallel_loop3A_236 : i32 to index
        %parallel_loop3A_244 = tpu.vector_load %arg8[%parallel_loop3A_242, %parallel_loop3A_243] {strides = array<i32>} : memref<2x12800xf32, #tpu.memory_space<vmem>>, vector<16xf32>,
        %parallel_loop3A_245 = arith.constant 0 : i32
        %parallel_loop3A_246 = arith.index_cast %parallel_loop3A_245 : i32 to index
        %parallel_loop3A_247 = arith.index_cast %parallel_loop3A_236 : i32 to index
        %parallel_loop3A_248 = tpu.vector_load %arg9[%parallel_loop3A_246, %parallel_loop3A_247] {strides = array<i32>} : memref<2x12800xf32, #tpu.memory_space<vmem>>, vector<16xf32>,
        %parallel_loop3A_249 = tpu.vector_load_idx %arg7[%parallel_loop3A_240] : memref<1000xf32, #tpu.memory_space<vmem>>[vector<16xi32>], vector<16xf32>,
        %parallel_loop3A_250 = arith.subf %parallel_loop3A_244, %parallel_loop3A_248 : vector<16xf32>
        %parallel_loop3A_251 = arith.mulf %parallel_loop3A_250, %parallel_loop3A_250 : vector<16xf32>
        %parallel_loop3A_252 = arith.mulf %parallel_loop3A_249, %parallel_loop3A_251 : vector<16xf32>
        %parallel_loop3A_253 = arith.addf %parallel_loop3A_191, %parallel_loop3A_252 : vector<16xf32>
        %parallel_loop3A_254 = arith.constant 48 : i32
        %parallel_loop3A_255 = arith.addi %parallel_loop3A_188, %parallel_loop3A_254 : i32
        %parallel_loop3A_256 = arith.constant 0 : i32
        %parallel_loop3A_257 = arith.index_cast %parallel_loop3A_256 : i32 to index
        %parallel_loop3A_258 = arith.index_cast %parallel_loop3A_255 : i32 to index
        %parallel_loop3A_259 = tpu.vector_load %arg10[%parallel_loop3A_257, %parallel_loop3A_258] {strides = array<i32>} : memref<2x12800xi32, #tpu.memory_space<vmem>>, vector<16xi32>,
        %parallel_loop3A_260 = arith.constant 0 : i32
        %parallel_loop3A_261 = arith.index_cast %parallel_loop3A_260 : i32 to index
        %parallel_loop3A_262 = arith.index_cast %parallel_loop3A_255 : i32 to index
        %parallel_loop3A_263 = tpu.vector_load %arg8[%parallel_loop3A_261, %parallel_loop3A_262] {strides = array<i32>} : memref<2x12800xf32, #tpu.memory_space<vmem>>, vector<16xf32>,
        %parallel_loop3A_264 = arith.constant 0 : i32
        %parallel_loop3A_265 = arith.index_cast %parallel_loop3A_264 : i32 to index
        %parallel_loop3A_266 = arith.index_cast %parallel_loop3A_255 : i32 to index
        %parallel_loop3A_267 = tpu.vector_load %arg9[%parallel_loop3A_265, %parallel_loop3A_266] {strides = array<i32>} : memref<2x12800xf32, #tpu.memory_space<vmem>>, vector<16xf32>,
        %parallel_loop3A_268 = tpu.vector_load_idx %arg7[%parallel_loop3A_259] : memref<1000xf32, #tpu.memory_space<vmem>>[vector<16xi32>], vector<16xf32>,
        %parallel_loop3A_269 = arith.subf %parallel_loop3A_263, %parallel_loop3A_267 : vector<16xf32>
        %parallel_loop3A_270 = arith.mulf %parallel_loop3A_269, %parallel_loop3A_269 : vector<16xf32>
        %parallel_loop3A_271 = arith.mulf %parallel_loop3A_268, %parallel_loop3A_270 : vector<16xf32>
        %parallel_loop3A_272 = arith.addf %parallel_loop3A_192, %parallel_loop3A_271 : vector<16xf32>
        %parallel_loop3A_273 = arith.constant 64 : i32
        %parallel_loop3A_274 = arith.addi %parallel_loop3A_188, %parallel_loop3A_273 : i32
        %parallel_loop3A_275 = arith.constant 0 : i32
        %parallel_loop3A_276 = arith.index_cast %parallel_loop3A_275 : i32 to index
        %parallel_loop3A_277 = arith.index_cast %parallel_loop3A_274 : i32 to index
        %parallel_loop3A_278 = tpu.vector_load %arg10[%parallel_loop3A_276, %parallel_loop3A_277] {strides = array<i32>} : memref<2x12800xi32, #tpu.memory_space<vmem>>, vector<16xi32>,
        %parallel_loop3A_279 = arith.constant 0 : i32
        %parallel_loop3A_280 = arith.index_cast %parallel_loop3A_279 : i32 to index
        %parallel_loop3A_281 = arith.index_cast %parallel_loop3A_274 : i32 to index
        %parallel_loop3A_282 = tpu.vector_load %arg8[%parallel_loop3A_280, %parallel_loop3A_281] {strides = array<i32>} : memref<2x12800xf32, #tpu.memory_space<vmem>>, vector<16xf32>,
        %parallel_loop3A_283 = arith.constant 0 : i32
        %parallel_loop3A_284 = arith.index_cast %parallel_loop3A_283 : i32 to index
        %parallel_loop3A_285 = arith.index_cast %parallel_loop3A_274 : i32 to index
        %parallel_loop3A_286 = tpu.vector_load %arg9[%parallel_loop3A_284, %parallel_loop3A_285] {strides = array<i32>} : memref<2x12800xf32, #tpu.memory_space<vmem>>, vector<16xf32>,
        %parallel_loop3A_287 = tpu.vector_load_idx %arg7[%parallel_loop3A_278] : memref<1000xf32, #tpu.memory_space<vmem>>[vector<16xi32>], vector<16xf32>,
        %parallel_loop3A_288 = arith.subf %parallel_loop3A_282, %parallel_loop3A_286 : vector<16xf32>
        %parallel_loop3A_289 = arith.mulf %parallel_loop3A_288, %parallel_loop3A_288 : vector<16xf32>
        %parallel_loop3A_290 = arith.mulf %parallel_loop3A_287, %parallel_loop3A_289 : vector<16xf32>
        %parallel_loop3A_291 = arith.addf %parallel_loop3A_193, %parallel_loop3A_290 : vector<16xf32>
        %parallel_loop3A_292 = arith.constant 80 : i32
        %parallel_loop3A_293 = arith.addi %parallel_loop3A_188, %parallel_loop3A_292 : i32
        %parallel_loop3A_294 = arith.constant 0 : i32
        %parallel_loop3A_295 = arith.index_cast %parallel_loop3A_294 : i32 to index
        %parallel_loop3A_296 = arith.index_cast %parallel_loop3A_293 : i32 to index
        %parallel_loop3A_297 = tpu.vector_load %arg10[%parallel_loop3A_295, %parallel_loop3A_296] {strides = array<i32>} : memref<2x12800xi32, #tpu.memory_space<vmem>>, vector<16xi32>,
        %parallel_loop3A_298 = arith.constant 0 : i32
        %parallel_loop3A_299 = arith.index_cast %parallel_loop3A_298 : i32 to index
        %parallel_loop3A_300 = arith.index_cast %parallel_loop3A_293 : i32 to index
        %parallel_loop3A_301 = tpu.vector_load %arg8[%parallel_loop3A_299, %parallel_loop3A_300] {strides = array<i32>} : memref<2x12800xf32, #tpu.memory_space<vmem>>, vector<16xf32>,
        %parallel_loop3A_302 = arith.constant 0 : i32
        %parallel_loop3A_303 = arith.index_cast %parallel_loop3A_302 : i32 to index
        %parallel_loop3A_304 = arith.index_cast %parallel_loop3A_293 : i32 to index
        %parallel_loop3A_305 = tpu.vector_load %arg9[%parallel_loop3A_303, %parallel_loop3A_304] {strides = array<i32>} : memref<2x12800xf32, #tpu.memory_space<vmem>>, vector<16xf32>,
        %parallel_loop3A_306 = tpu.vector_load_idx %arg7[%parallel_loop3A_297] : memref<1000xf32, #tpu.memory_space<vmem>>[vector<16xi32>], vector<16xf32>,
        %parallel_loop3A_307 = arith.subf %parallel_loop3A_301, %parallel_loop3A_305 : vector<16xf32>
        %parallel_loop3A_308 = arith.mulf %parallel_loop3A_307, %parallel_loop3A_307 : vector<16xf32>
        %parallel_loop3A_309 = arith.mulf %parallel_loop3A_306, %parallel_loop3A_308 : vector<16xf32>
        %parallel_loop3A_310 = arith.addf %parallel_loop3A_194, %parallel_loop3A_309 : vector<16xf32>
        %parallel_loop3A_311 = arith.constant 96 : i32
        %parallel_loop3A_312 = arith.addi %parallel_loop3A_188, %parallel_loop3A_311 : i32
        %parallel_loop3A_313 = arith.constant 0 : i32
        %parallel_loop3A_314 = arith.index_cast %parallel_loop3A_313 : i32 to index
        %parallel_loop3A_315 = arith.index_cast %parallel_loop3A_312 : i32 to index
        %parallel_loop3A_316 = tpu.vector_load %arg10[%parallel_loop3A_314, %parallel_loop3A_315] {strides = array<i32>} : memref<2x12800xi32, #tpu.memory_space<vmem>>, vector<16xi32>,
        %parallel_loop3A_317 = arith.constant 0 : i32
        %parallel_loop3A_318 = arith.index_cast %parallel_loop3A_317 : i32 to index
        %parallel_loop3A_319 = arith.index_cast %parallel_loop3A_312 : i32 to index
        %parallel_loop3A_320 = tpu.vector_load %arg8[%parallel_loop3A_318, %parallel_loop3A_319] {strides = array<i32>} : memref<2x12800xf32, #tpu.memory_space<vmem>>, vector<16xf32>,
        %parallel_loop3A_321 = arith.constant 0 : i32
        %parallel_loop3A_322 = arith.index_cast %parallel_loop3A_321 : i32 to index
        %parallel_loop3A_323 = arith.index_cast %parallel_loop3A_312 : i32 to index
        %parallel_loop3A_324 = tpu.vector_load %arg9[%parallel_loop3A_322, %parallel_loop3A_323] {strides = array<i32>} : memref<2x12800xf32, #tpu.memory_space<vmem>>, vector<16xf32>,
        %parallel_loop3A_325 = tpu.vector_load_idx %arg7[%parallel_loop3A_316] : memref<1000xf32, #tpu.memory_space<vmem>>[vector<16xi32>], vector<16xf32>,
        %parallel_loop3A_326 = arith.subf %parallel_loop3A_320, %parallel_loop3A_324 : vector<16xf32>
        %parallel_loop3A_327 = arith.mulf %parallel_loop3A_326, %parallel_loop3A_326 : vector<16xf32>
        %parallel_loop3A_328 = arith.mulf %parallel_loop3A_325, %parallel_loop3A_327 : vector<16xf32>
        %parallel_loop3A_329 = arith.addf %parallel_loop3A_195, %parallel_loop3A_328 : vector<16xf32>
        %parallel_loop3A_330 = arith.constant 112 : i32
        %parallel_loop3A_331 = arith.addi %parallel_loop3A_188, %parallel_loop3A_330 : i32
        %parallel_loop3A_332 = arith.constant 0 : i32
        %parallel_loop3A_333 = arith.index_cast %parallel_loop3A_332 : i32 to index
        %parallel_loop3A_334 = arith.index_cast %parallel_loop3A_331 : i32 to index
        %parallel_loop3A_335 = tpu.vector_load %arg10[%parallel_loop3A_333, %parallel_loop3A_334] {strides = array<i32>} : memref<2x12800xi32, #tpu.memory_space<vmem>>, vector<16xi32>,
        %parallel_loop3A_336 = arith.constant 0 : i32
        %parallel_loop3A_337 = arith.index_cast %parallel_loop3A_336 : i32 to index
        %parallel_loop3A_338 = arith.index_cast %parallel_loop3A_331 : i32 to index
        %parallel_loop3A_339 = tpu.vector_load %arg8[%parallel_loop3A_337, %parallel_loop3A_338] {strides = array<i32>} : memref<2x12800xf32, #tpu.memory_space<vmem>>, vector<16xf32>,
        %parallel_loop3A_340 = arith.constant 0 : i32
        %parallel_loop3A_341 = arith.index_cast %parallel_loop3A_340 : i32 to index
        %parallel_loop3A_342 = arith.index_cast %parallel_loop3A_331 : i32 to index
        %parallel_loop3A_343 = tpu.vector_load %arg9[%parallel_loop3A_341, %parallel_loop3A_342] {strides = array<i32>} : memref<2x12800xf32, #tpu.memory_space<vmem>>, vector<16xf32>,
        %parallel_loop3A_344 = tpu.vector_load_idx %arg7[%parallel_loop3A_335] : memref<1000xf32, #tpu.memory_space<vmem>>[vector<16xi32>], vector<16xf32>,
        %parallel_loop3A_345 = arith.subf %parallel_loop3A_339, %parallel_loop3A_343 : vector<16xf32>
        %parallel_loop3A_346 = arith.mulf %parallel_loop3A_345, %parallel_loop3A_345 : vector<16xf32>
        %parallel_loop3A_347 = arith.mulf %parallel_loop3A_344, %parallel_loop3A_346 : vector<16xf32>
        %parallel_loop3A_348 = arith.addf %parallel_loop3A_196, %parallel_loop3A_347 : vector<16xf32>
        scf.yield %parallel_loop3A_215, %parallel_loop3A_234, %parallel_loop3A_253, %parallel_loop3A_272, %parallel_loop3A_291, %parallel_loop3A_310, %parallel_loop3A_329, %parallel_loop3A_348 : vector<16xf32>, vector<16xf32>, vector<16xf32>, vector<16xf32>, vector<16xf32>, vector<16xf32>, vector<16xf32>, vector<16xf32>
      } {sc.loop_unroll_factor = 2 : i64, sc.parallel_access}
      %add3A_120 = arith.addf %parallel_loop3A_119#0, %parallel_loop3A_119#1 : vector<16xf32>
      %add3A_121 = arith.addf %add3A_120, %parallel_loop3A_119#2 : vector<16xf32>
      %add3A_122 = arith.addf %add3A_121, %parallel_loop3A_119#3 : vector<16xf32>
      %add3A_123 = arith.addf %add3A_122, %parallel_loop3A_119#4 : vector<16xf32>
      %add3A_124 = arith.addf %add3A_123, %parallel_loop3A_119#5 : vector<16xf32>
      %add3A_125 = arith.addf %add3A_124, %parallel_loop3A_119#6 : vector<16xf32>
      %add3A_126 = arith.addf %add3A_125, %parallel_loop3A_119#7 : vector<16xf32>
      %add3A_127 = arith.constant 2 : i32
      %add3A_128 = arith.addi %mul3A_41, %add3A_127 : i32
      %lt3A = arith.constant 8 : i32
      %lt3A_129 = arith.cmpi slt, %add3A_128, %lt3A : i32
      %convert_element_type3A = arith.extui %lt3A_129 : i1 to i32
      %cond3A = arith.constant 0 : i32
      %cond3A_130 = arith.cmpi ne, %convert_element_type3A, %cond3A : i32
      scf.if %cond3A_130 {
        %add3A_188 = arith.constant 2 : i32
        %add3A_189 = arith.addi %mul3A_41, %add3A_188 : i32
        %mul3A_190 = arith.constant 12800 : i32
        %mul3A_191 = arith.muli %add3A_189, %mul3A_190 : i32
        %add3A_192 = arith.addi %mul3A_2, %mul3A_191 : i32
        %dma_start3A_193 = arith.constant 0 : i32
        %dma_start3A_194 = arith.constant 0 : i32
        %dma_start3A_195 = tpu.memref_slice %arg8[%dma_start3A_193, %dma_start3A_194] : memref<2x12800xf32, #tpu.memory_space<vmem>> -> memref<1x12800xf32, #tpu.memory_space<vmem>>
        %dma_start3A_196 = tpu.memref_squeeze %dma_start3A_195 : memref<1x12800xf32, #tpu.memory_space<vmem>> -> memref<12800xf32, #tpu.memory_space<vmem>>
        %dma_start3A_197 = tpu.memref_slice %arg2[%add3A_192] : memref<3276800xf32, #tpu.memory_space<hbm>> -> memref<12800xf32, #tpu.memory_space<hbm>>
        %dma_start3A_198 = arith.constant 0 : i32
        %dma_start3A_199 = tpu.memref_slice %arg8[%dma_start3A_193, %dma_start3A_198] : memref<2x12800xf32, #tpu.memory_space<vmem>> -> memref<1x12800xf32, #tpu.memory_space<vmem>>
        %dma_start3A_200 = tpu.memref_squeeze %dma_start3A_199 : memref<1x12800xf32, #tpu.memory_space<vmem>> -> memref<12800xf32, #tpu.memory_space<vmem>>
        %dma_start3A_201 = tpu.memref_slice %arg2[%add3A_192] : memref<3276800xf32, #tpu.memory_space<hbm>> -> memref<12800xf32, #tpu.memory_space<hbm>>
        tpu.enqueue_dma source(%dma_start3A_201 : memref<12800xf32, #tpu.memory_space<hbm>>) target(%dma_start3A_200 : memref<12800xf32, #tpu.memory_space<vmem>>) target_semaphore(%arg12 : memref<!tpu.dma_semaphore, #tpu.memory_space<semaphore_mem>>)
        %dma_start3A_202 = arith.constant 0 : i32
        %dma_start3A_203 = arith.constant 0 : i32
        %dma_start3A_204 = tpu.memref_slice %arg9[%dma_start3A_202, %dma_start3A_203] : memref<2x12800xf32, #tpu.memory_space<vmem>> -> memref<1x12800xf32, #tpu.memory_space<vmem>>
        %dma_start3A_205 = tpu.memref_squeeze %dma_start3A_204 : memref<1x12800xf32, #tpu.memory_space<vmem>> -> memref<12800xf32, #tpu.memory_space<vmem>>
        %dma_start3A_206 = tpu.memref_slice %arg3[%add3A_192] : memref<3276800xf32, #tpu.memory_space<hbm>> -> memref<12800xf32, #tpu.memory_space<hbm>>
        %dma_start3A_207 = arith.constant 0 : i32
        %dma_start3A_208 = tpu.memref_slice %arg9[%dma_start3A_202, %dma_start3A_207] : memref<2x12800xf32, #tpu.memory_space<vmem>> -> memref<1x12800xf32, #tpu.memory_space<vmem>>
        %dma_start3A_209 = tpu.memref_squeeze %dma_start3A_208 : memref<1x12800xf32, #tpu.memory_space<vmem>> -> memref<12800xf32, #tpu.memory_space<vmem>>
        %dma_start3A_210 = tpu.memref_slice %arg3[%add3A_192] : memref<3276800xf32, #tpu.memory_space<hbm>> -> memref<12800xf32, #tpu.memory_space<hbm>>
        tpu.enqueue_dma source(%dma_start3A_210 : memref<12800xf32, #tpu.memory_space<hbm>>) target(%dma_start3A_209 : memref<12800xf32, #tpu.memory_space<vmem>>) target_semaphore(%arg12 : memref<!tpu.dma_semaphore, #tpu.memory_space<semaphore_mem>>)
        %dma_start3A_211 = arith.constant 0 : i32
        %dma_start3A_212 = arith.constant 0 : i32
        %dma_start3A_213 = tpu.memref_slice %arg10[%dma_start3A_211, %dma_start3A_212] : memref<2x12800xi32, #tpu.memory_space<vmem>> -> memref<1x12800xi32, #tpu.memory_space<vmem>>
        %dma_start3A_214 = tpu.memref_squeeze %dma_start3A_213 : memref<1x12800xi32, #tpu.memory_space<vmem>> -> memref<12800xi32, #tpu.memory_space<vmem>>
        %dma_start3A_215 = tpu.memref_slice %arg4[%add3A_192] : memref<3276800xi32, #tpu.memory_space<hbm>> -> memref<12800xi32, #tpu.memory_space<hbm>>
        %dma_start3A_216 = arith.constant 0 : i32
        %dma_start3A_217 = tpu.memref_slice %arg10[%dma_start3A_211, %dma_start3A_216] : memref<2x12800xi32, #tpu.memory_space<vmem>> -> memref<1x12800xi32, #tpu.memory_space<vmem>>
        %dma_start3A_218 = tpu.memref_squeeze %dma_start3A_217 : memref<1x12800xi32, #tpu.memory_space<vmem>> -> memref<12800xi32, #tpu.memory_space<vmem>>
        %dma_start3A_219 = tpu.memref_slice %arg4[%add3A_192] : memref<3276800xi32, #tpu.memory_space<hbm>> -> memref<12800xi32, #tpu.memory_space<hbm>>
        tpu.enqueue_dma source(%dma_start3A_219 : memref<12800xi32, #tpu.memory_space<hbm>>) target(%dma_start3A_218 : memref<12800xi32, #tpu.memory_space<vmem>>) target_semaphore(%arg12 : memref<!tpu.dma_semaphore, #tpu.memory_space<semaphore_mem>>)
      } else {
      }
      %add3A_131 = arith.constant 1 : i32
      %add3A_132 = arith.addi %mul3A_41, %add3A_131 : i32
      %mul3A_133 = arith.constant 12800 : i32
      %mul3A_134 = arith.muli %add3A_132, %mul3A_133 : i32
      %add3A_135 = arith.addi %mul3A_2, %mul3A_134 : i32
      %dma_wait3A_136 = arith.constant 1 : i32
      %dma_wait3A_137 = arith.constant 0 : i32
      %dma_wait3A_138 = tpu.memref_slice %arg8[%dma_wait3A_136, %dma_wait3A_137] : memref<2x12800xf32, #tpu.memory_space<vmem>> -> memref<1x12800xf32, #tpu.memory_space<vmem>>
      %dma_wait3A_139 = tpu.memref_squeeze %dma_wait3A_138 : memref<1x12800xf32, #tpu.memory_space<vmem>> -> memref<12800xf32, #tpu.memory_space<vmem>>
      %dma_wait3A_140 = tpu.memref_slice %arg2[%add3A_135] : memref<3276800xf32, #tpu.memory_space<hbm>> -> memref<12800xf32, #tpu.memory_space<hbm>>
      %dma_wait3A_141 = arith.constant 0 : i32
      %dma_wait3A_142 = tpu.memref_slice %arg8[%dma_wait3A_136, %dma_wait3A_141] : memref<2x12800xf32, #tpu.memory_space<vmem>> -> memref<1x12800xf32, #tpu.memory_space<vmem>>
      %dma_wait3A_143 = tpu.memref_squeeze %dma_wait3A_142 : memref<1x12800xf32, #tpu.memory_space<vmem>> -> memref<12800xf32, #tpu.memory_space<vmem>>
      %dma_wait3A_144 = tpu.memref_slice %arg2[%add3A_135] : memref<3276800xf32, #tpu.memory_space<hbm>> -> memref<12800xf32, #tpu.memory_space<hbm>>
      tpu.wait_dma2 semaphore(%arg13 : memref<!tpu.dma_semaphore, #tpu.memory_space<semaphore_mem>>) src(%dma_wait3A_144 : memref<12800xf32, #tpu.memory_space<hbm>>) dst(%dma_wait3A_143 : memref<12800xf32, #tpu.memory_space<vmem>>)
      %dma_wait3A_145 = arith.constant 1 : i32
      %dma_wait3A_146 = arith.constant 0 : i32
      %dma_wait3A_147 = tpu.memref_slice %arg9[%dma_wait3A_145, %dma_wait3A_146] : memref<2x12800xf32, #tpu.memory_space<vmem>> -> memref<1x12800xf32, #tpu.memory_space<vmem>>
      %dma_wait3A_148 = tpu.memref_squeeze %dma_wait3A_147 : memref<1x12800xf32, #tpu.memory_space<vmem>> -> memref<12800xf32, #tpu.memory_space<vmem>>
      %dma_wait3A_149 = tpu.memref_slice %arg3[%add3A_135] : memref<3276800xf32, #tpu.memory_space<hbm>> -> memref<12800xf32, #tpu.memory_space<hbm>>
      %dma_wait3A_150 = arith.constant 0 : i32
      %dma_wait3A_151 = tpu.memref_slice %arg9[%dma_wait3A_145, %dma_wait3A_150] : memref<2x12800xf32, #tpu.memory_space<vmem>> -> memref<1x12800xf32, #tpu.memory_space<vmem>>
      %dma_wait3A_152 = tpu.memref_squeeze %dma_wait3A_151 : memref<1x12800xf32, #tpu.memory_space<vmem>> -> memref<12800xf32, #tpu.memory_space<vmem>>
      %dma_wait3A_153 = tpu.memref_slice %arg3[%add3A_135] : memref<3276800xf32, #tpu.memory_space<hbm>> -> memref<12800xf32, #tpu.memory_space<hbm>>
      tpu.wait_dma2 semaphore(%arg13 : memref<!tpu.dma_semaphore, #tpu.memory_space<semaphore_mem>>) src(%dma_wait3A_153 : memref<12800xf32, #tpu.memory_space<hbm>>) dst(%dma_wait3A_152 : memref<12800xf32, #tpu.memory_space<vmem>>)
      %dma_wait3A_154 = arith.constant 1 : i32
      %dma_wait3A_155 = arith.constant 0 : i32
      %dma_wait3A_156 = tpu.memref_slice %arg10[%dma_wait3A_154, %dma_wait3A_155] : memref<2x12800xi32, #tpu.memory_space<vmem>> -> memref<1x12800xi32, #tpu.memory_space<vmem>>
      %dma_wait3A_157 = tpu.memref_squeeze %dma_wait3A_156 : memref<1x12800xi32, #tpu.memory_space<vmem>> -> memref<12800xi32, #tpu.memory_space<vmem>>
      %dma_wait3A_158 = tpu.memref_slice %arg4[%add3A_135] : memref<3276800xi32, #tpu.memory_space<hbm>> -> memref<12800xi32, #tpu.memory_space<hbm>>
      %dma_wait3A_159 = arith.constant 0 : i32
      %dma_wait3A_160 = tpu.memref_slice %arg10[%dma_wait3A_154, %dma_wait3A_159] : memref<2x12800xi32, #tpu.memory_space<vmem>> -> memref<1x12800xi32, #tpu.memory_space<vmem>>
      %dma_wait3A_161 = tpu.memref_squeeze %dma_wait3A_160 : memref<1x12800xi32, #tpu.memory_space<vmem>> -> memref<12800xi32, #tpu.memory_space<vmem>>
      %dma_wait3A_162 = tpu.memref_slice %arg4[%add3A_135] : memref<3276800xi32, #tpu.memory_space<hbm>> -> memref<12800xi32, #tpu.memory_space<hbm>>
      tpu.wait_dma2 semaphore(%arg13 : memref<!tpu.dma_semaphore, #tpu.memory_space<semaphore_mem>>) src(%dma_wait3A_162 : memref<12800xi32, #tpu.memory_space<hbm>>) dst(%dma_wait3A_161 : memref<12800xi32, #tpu.memory_space<vmem>>)
      %broadcast_in_dim3A_163 = arith.constant 0.000000e+00 : f32
      %broadcast_in_dim3A_164 = vector.broadcast %broadcast_in_dim3A_163 : f32 to vector<16xf32>
      %broadcast_in_dim3A_165 = arith.constant 0.000000e+00 : f32
      %broadcast_in_dim3A_166 = vector.broadcast %broadcast_in_dim3A_165 : f32 to vector<16xf32>
      %broadcast_in_dim3A_167 = arith.constant 0.000000e+00 : f32
      %broadcast_in_dim3A_168 = vector.broadcast %broadcast_in_dim3A_167 : f32 to vector<16xf32>
      %broadcast_in_dim3A_169 = arith.constant 0.000000e+00 : f32
      %broadcast_in_dim3A_170 = vector.broadcast %broadcast_in_dim3A_169 : f32 to vector<16xf32>
      %broadcast_in_dim3A_171 = arith.constant 0.000000e+00 : f32
      %broadcast_in_dim3A_172 = vector.broadcast %broadcast_in_dim3A_171 : f32 to vector<16xf32>
      %broadcast_in_dim3A_173 = arith.constant 0.000000e+00 : f32
      %broadcast_in_dim3A_174 = vector.broadcast %broadcast_in_dim3A_173 : f32 to vector<16xf32>
      %broadcast_in_dim3A_175 = arith.constant 0.000000e+00 : f32
      %broadcast_in_dim3A_176 = vector.broadcast %broadcast_in_dim3A_175 : f32 to vector<16xf32>
      %parallel_loop3A_177 = arith.constant 0 : i32
      %parallel_loop3A_178 = arith.constant 12800 : i32
      %parallel_loop3A_179 = arith.constant 128 : i32
      %parallel_loop3A_180:8 = scf.for %parallel_loop3A_188 = %parallel_loop3A_177 to %parallel_loop3A_178 step %parallel_loop3A_179 iter_args(%parallel_loop3A_189 = %add3A_126, %parallel_loop3A_190 = %broadcast_in_dim3A_164, %parallel_loop3A_191 = %broadcast_in_dim3A_166, %parallel_loop3A_192 = %broadcast_in_dim3A_168, %parallel_loop3A_193 = %broadcast_in_dim3A_170, %parallel_loop3A_194 = %broadcast_in_dim3A_172, %parallel_loop3A_195 = %broadcast_in_dim3A_174, %parallel_loop3A_196 = %broadcast_in_dim3A_176) -> (vector<16xf32>, vector<16xf32>, vector<16xf32>, vector<16xf32>, vector<16xf32>, vector<16xf32>, vector<16xf32>, vector<16xf32>)  : i32 {
        %parallel_loop3A_197 = arith.constant 0 : i32
        %parallel_loop3A_198 = arith.addi %parallel_loop3A_188, %parallel_loop3A_197 : i32
        %parallel_loop3A_199 = arith.constant 1 : i32
        %parallel_loop3A_200 = arith.index_cast %parallel_loop3A_199 : i32 to index
        %parallel_loop3A_201 = arith.index_cast %parallel_loop3A_198 : i32 to index
        %parallel_loop3A_202 = tpu.vector_load %arg10[%parallel_loop3A_200, %parallel_loop3A_201] {strides = array<i32>} : memref<2x12800xi32, #tpu.memory_space<vmem>>, vector<16xi32>,
        %parallel_loop3A_203 = arith.constant 1 : i32
        %parallel_loop3A_204 = arith.index_cast %parallel_loop3A_203 : i32 to index
        %parallel_loop3A_205 = arith.index_cast %parallel_loop3A_198 : i32 to index
        %parallel_loop3A_206 = tpu.vector_load %arg8[%parallel_loop3A_204, %parallel_loop3A_205] {strides = array<i32>} : memref<2x12800xf32, #tpu.memory_space<vmem>>, vector<16xf32>,
        %parallel_loop3A_207 = arith.constant 1 : i32
        %parallel_loop3A_208 = arith.index_cast %parallel_loop3A_207 : i32 to index
        %parallel_loop3A_209 = arith.index_cast %parallel_loop3A_198 : i32 to index
        %parallel_loop3A_210 = tpu.vector_load %arg9[%parallel_loop3A_208, %parallel_loop3A_209] {strides = array<i32>} : memref<2x12800xf32, #tpu.memory_space<vmem>>, vector<16xf32>,
        %parallel_loop3A_211 = tpu.vector_load_idx %arg7[%parallel_loop3A_202] : memref<1000xf32, #tpu.memory_space<vmem>>[vector<16xi32>], vector<16xf32>,
        %parallel_loop3A_212 = arith.subf %parallel_loop3A_206, %parallel_loop3A_210 : vector<16xf32>
        %parallel_loop3A_213 = arith.mulf %parallel_loop3A_212, %parallel_loop3A_212 : vector<16xf32>
        %parallel_loop3A_214 = arith.mulf %parallel_loop3A_211, %parallel_loop3A_213 : vector<16xf32>
        %parallel_loop3A_215 = arith.addf %parallel_loop3A_189, %parallel_loop3A_214 : vector<16xf32>
        %parallel_loop3A_216 = arith.constant 16 : i32
        %parallel_loop3A_217 = arith.addi %parallel_loop3A_188, %parallel_loop3A_216 : i32
        %parallel_loop3A_218 = arith.constant 1 : i32
        %parallel_loop3A_219 = arith.index_cast %parallel_loop3A_218 : i32 to index
        %parallel_loop3A_220 = arith.index_cast %parallel_loop3A_217 : i32 to index
        %parallel_loop3A_221 = tpu.vector_load %arg10[%parallel_loop3A_219, %parallel_loop3A_220] {strides = array<i32>} : memref<2x12800xi32, #tpu.memory_space<vmem>>, vector<16xi32>,
        %parallel_loop3A_222 = arith.constant 1 : i32
        %parallel_loop3A_223 = arith.index_cast %parallel_loop3A_222 : i32 to index
        %parallel_loop3A_224 = arith.index_cast %parallel_loop3A_217 : i32 to index
        %parallel_loop3A_225 = tpu.vector_load %arg8[%parallel_loop3A_223, %parallel_loop3A_224] {strides = array<i32>} : memref<2x12800xf32, #tpu.memory_space<vmem>>, vector<16xf32>,
        %parallel_loop3A_226 = arith.constant 1 : i32
        %parallel_loop3A_227 = arith.index_cast %parallel_loop3A_226 : i32 to index
        %parallel_loop3A_228 = arith.index_cast %parallel_loop3A_217 : i32 to index
        %parallel_loop3A_229 = tpu.vector_load %arg9[%parallel_loop3A_227, %parallel_loop3A_228] {strides = array<i32>} : memref<2x12800xf32, #tpu.memory_space<vmem>>, vector<16xf32>,
        %parallel_loop3A_230 = tpu.vector_load_idx %arg7[%parallel_loop3A_221] : memref<1000xf32, #tpu.memory_space<vmem>>[vector<16xi32>], vector<16xf32>,
        %parallel_loop3A_231 = arith.subf %parallel_loop3A_225, %parallel_loop3A_229 : vector<16xf32>
        %parallel_loop3A_232 = arith.mulf %parallel_loop3A_231, %parallel_loop3A_231 : vector<16xf32>
        %parallel_loop3A_233 = arith.mulf %parallel_loop3A_230, %parallel_loop3A_232 : vector<16xf32>
        %parallel_loop3A_234 = arith.addf %parallel_loop3A_190, %parallel_loop3A_233 : vector<16xf32>
        %parallel_loop3A_235 = arith.constant 32 : i32
        %parallel_loop3A_236 = arith.addi %parallel_loop3A_188, %parallel_loop3A_235 : i32
        %parallel_loop3A_237 = arith.constant 1 : i32
        %parallel_loop3A_238 = arith.index_cast %parallel_loop3A_237 : i32 to index
        %parallel_loop3A_239 = arith.index_cast %parallel_loop3A_236 : i32 to index
        %parallel_loop3A_240 = tpu.vector_load %arg10[%parallel_loop3A_238, %parallel_loop3A_239] {strides = array<i32>} : memref<2x12800xi32, #tpu.memory_space<vmem>>, vector<16xi32>,
        %parallel_loop3A_241 = arith.constant 1 : i32
        %parallel_loop3A_242 = arith.index_cast %parallel_loop3A_241 : i32 to index
        %parallel_loop3A_243 = arith.index_cast %parallel_loop3A_236 : i32 to index
        %parallel_loop3A_244 = tpu.vector_load %arg8[%parallel_loop3A_242, %parallel_loop3A_243] {strides = array<i32>} : memref<2x12800xf32, #tpu.memory_space<vmem>>, vector<16xf32>,
        %parallel_loop3A_245 = arith.constant 1 : i32
        %parallel_loop3A_246 = arith.index_cast %parallel_loop3A_245 : i32 to index
        %parallel_loop3A_247 = arith.index_cast %parallel_loop3A_236 : i32 to index
        %parallel_loop3A_248 = tpu.vector_load %arg9[%parallel_loop3A_246, %parallel_loop3A_247] {strides = array<i32>} : memref<2x12800xf32, #tpu.memory_space<vmem>>, vector<16xf32>,
        %parallel_loop3A_249 = tpu.vector_load_idx %arg7[%parallel_loop3A_240] : memref<1000xf32, #tpu.memory_space<vmem>>[vector<16xi32>], vector<16xf32>,
        %parallel_loop3A_250 = arith.subf %parallel_loop3A_244, %parallel_loop3A_248 : vector<16xf32>
        %parallel_loop3A_251 = arith.mulf %parallel_loop3A_250, %parallel_loop3A_250 : vector<16xf32>
        %parallel_loop3A_252 = arith.mulf %parallel_loop3A_249, %parallel_loop3A_251 : vector<16xf32>
        %parallel_loop3A_253 = arith.addf %parallel_loop3A_191, %parallel_loop3A_252 : vector<16xf32>
        %parallel_loop3A_254 = arith.constant 48 : i32
        %parallel_loop3A_255 = arith.addi %parallel_loop3A_188, %parallel_loop3A_254 : i32
        %parallel_loop3A_256 = arith.constant 1 : i32
        %parallel_loop3A_257 = arith.index_cast %parallel_loop3A_256 : i32 to index
        %parallel_loop3A_258 = arith.index_cast %parallel_loop3A_255 : i32 to index
        %parallel_loop3A_259 = tpu.vector_load %arg10[%parallel_loop3A_257, %parallel_loop3A_258] {strides = array<i32>} : memref<2x12800xi32, #tpu.memory_space<vmem>>, vector<16xi32>,
        %parallel_loop3A_260 = arith.constant 1 : i32
        %parallel_loop3A_261 = arith.index_cast %parallel_loop3A_260 : i32 to index
        %parallel_loop3A_262 = arith.index_cast %parallel_loop3A_255 : i32 to index
        %parallel_loop3A_263 = tpu.vector_load %arg8[%parallel_loop3A_261, %parallel_loop3A_262] {strides = array<i32>} : memref<2x12800xf32, #tpu.memory_space<vmem>>, vector<16xf32>,
        %parallel_loop3A_264 = arith.constant 1 : i32
        %parallel_loop3A_265 = arith.index_cast %parallel_loop3A_264 : i32 to index
        %parallel_loop3A_266 = arith.index_cast %parallel_loop3A_255 : i32 to index
        %parallel_loop3A_267 = tpu.vector_load %arg9[%parallel_loop3A_265, %parallel_loop3A_266] {strides = array<i32>} : memref<2x12800xf32, #tpu.memory_space<vmem>>, vector<16xf32>,
        %parallel_loop3A_268 = tpu.vector_load_idx %arg7[%parallel_loop3A_259] : memref<1000xf32, #tpu.memory_space<vmem>>[vector<16xi32>], vector<16xf32>,
        %parallel_loop3A_269 = arith.subf %parallel_loop3A_263, %parallel_loop3A_267 : vector<16xf32>
        %parallel_loop3A_270 = arith.mulf %parallel_loop3A_269, %parallel_loop3A_269 : vector<16xf32>
        %parallel_loop3A_271 = arith.mulf %parallel_loop3A_268, %parallel_loop3A_270 : vector<16xf32>
        %parallel_loop3A_272 = arith.addf %parallel_loop3A_192, %parallel_loop3A_271 : vector<16xf32>
        %parallel_loop3A_273 = arith.constant 64 : i32
        %parallel_loop3A_274 = arith.addi %parallel_loop3A_188, %parallel_loop3A_273 : i32
        %parallel_loop3A_275 = arith.constant 1 : i32
        %parallel_loop3A_276 = arith.index_cast %parallel_loop3A_275 : i32 to index
        %parallel_loop3A_277 = arith.index_cast %parallel_loop3A_274 : i32 to index
        %parallel_loop3A_278 = tpu.vector_load %arg10[%parallel_loop3A_276, %parallel_loop3A_277] {strides = array<i32>} : memref<2x12800xi32, #tpu.memory_space<vmem>>, vector<16xi32>,
        %parallel_loop3A_279 = arith.constant 1 : i32
        %parallel_loop3A_280 = arith.index_cast %parallel_loop3A_279 : i32 to index
        %parallel_loop3A_281 = arith.index_cast %parallel_loop3A_274 : i32 to index
        %parallel_loop3A_282 = tpu.vector_load %arg8[%parallel_loop3A_280, %parallel_loop3A_281] {strides = array<i32>} : memref<2x12800xf32, #tpu.memory_space<vmem>>, vector<16xf32>,
        %parallel_loop3A_283 = arith.constant 1 : i32
        %parallel_loop3A_284 = arith.index_cast %parallel_loop3A_283 : i32 to index
        %parallel_loop3A_285 = arith.index_cast %parallel_loop3A_274 : i32 to index
        %parallel_loop3A_286 = tpu.vector_load %arg9[%parallel_loop3A_284, %parallel_loop3A_285] {strides = array<i32>} : memref<2x12800xf32, #tpu.memory_space<vmem>>, vector<16xf32>,
        %parallel_loop3A_287 = tpu.vector_load_idx %arg7[%parallel_loop3A_278] : memref<1000xf32, #tpu.memory_space<vmem>>[vector<16xi32>], vector<16xf32>,
        %parallel_loop3A_288 = arith.subf %parallel_loop3A_282, %parallel_loop3A_286 : vector<16xf32>
        %parallel_loop3A_289 = arith.mulf %parallel_loop3A_288, %parallel_loop3A_288 : vector<16xf32>
        %parallel_loop3A_290 = arith.mulf %parallel_loop3A_287, %parallel_loop3A_289 : vector<16xf32>
        %parallel_loop3A_291 = arith.addf %parallel_loop3A_193, %parallel_loop3A_290 : vector<16xf32>
        %parallel_loop3A_292 = arith.constant 80 : i32
        %parallel_loop3A_293 = arith.addi %parallel_loop3A_188, %parallel_loop3A_292 : i32
        %parallel_loop3A_294 = arith.constant 1 : i32
        %parallel_loop3A_295 = arith.index_cast %parallel_loop3A_294 : i32 to index
        %parallel_loop3A_296 = arith.index_cast %parallel_loop3A_293 : i32 to index
        %parallel_loop3A_297 = tpu.vector_load %arg10[%parallel_loop3A_295, %parallel_loop3A_296] {strides = array<i32>} : memref<2x12800xi32, #tpu.memory_space<vmem>>, vector<16xi32>,
        %parallel_loop3A_298 = arith.constant 1 : i32
        %parallel_loop3A_299 = arith.index_cast %parallel_loop3A_298 : i32 to index
        %parallel_loop3A_300 = arith.index_cast %parallel_loop3A_293 : i32 to index
        %parallel_loop3A_301 = tpu.vector_load %arg8[%parallel_loop3A_299, %parallel_loop3A_300] {strides = array<i32>} : memref<2x12800xf32, #tpu.memory_space<vmem>>, vector<16xf32>,
        %parallel_loop3A_302 = arith.constant 1 : i32
        %parallel_loop3A_303 = arith.index_cast %parallel_loop3A_302 : i32 to index
        %parallel_loop3A_304 = arith.index_cast %parallel_loop3A_293 : i32 to index
        %parallel_loop3A_305 = tpu.vector_load %arg9[%parallel_loop3A_303, %parallel_loop3A_304] {strides = array<i32>} : memref<2x12800xf32, #tpu.memory_space<vmem>>, vector<16xf32>,
        %parallel_loop3A_306 = tpu.vector_load_idx %arg7[%parallel_loop3A_297] : memref<1000xf32, #tpu.memory_space<vmem>>[vector<16xi32>], vector<16xf32>,
        %parallel_loop3A_307 = arith.subf %parallel_loop3A_301, %parallel_loop3A_305 : vector<16xf32>
        %parallel_loop3A_308 = arith.mulf %parallel_loop3A_307, %parallel_loop3A_307 : vector<16xf32>
        %parallel_loop3A_309 = arith.mulf %parallel_loop3A_306, %parallel_loop3A_308 : vector<16xf32>
        %parallel_loop3A_310 = arith.addf %parallel_loop3A_194, %parallel_loop3A_309 : vector<16xf32>
        %parallel_loop3A_311 = arith.constant 96 : i32
        %parallel_loop3A_312 = arith.addi %parallel_loop3A_188, %parallel_loop3A_311 : i32
        %parallel_loop3A_313 = arith.constant 1 : i32
        %parallel_loop3A_314 = arith.index_cast %parallel_loop3A_313 : i32 to index
        %parallel_loop3A_315 = arith.index_cast %parallel_loop3A_312 : i32 to index
        %parallel_loop3A_316 = tpu.vector_load %arg10[%parallel_loop3A_314, %parallel_loop3A_315] {strides = array<i32>} : memref<2x12800xi32, #tpu.memory_space<vmem>>, vector<16xi32>,
        %parallel_loop3A_317 = arith.constant 1 : i32
        %parallel_loop3A_318 = arith.index_cast %parallel_loop3A_317 : i32 to index
        %parallel_loop3A_319 = arith.index_cast %parallel_loop3A_312 : i32 to index
        %parallel_loop3A_320 = tpu.vector_load %arg8[%parallel_loop3A_318, %parallel_loop3A_319] {strides = array<i32>} : memref<2x12800xf32, #tpu.memory_space<vmem>>, vector<16xf32>,
        %parallel_loop3A_321 = arith.constant 1 : i32
        %parallel_loop3A_322 = arith.index_cast %parallel_loop3A_321 : i32 to index
        %parallel_loop3A_323 = arith.index_cast %parallel_loop3A_312 : i32 to index
        %parallel_loop3A_324 = tpu.vector_load %arg9[%parallel_loop3A_322, %parallel_loop3A_323] {strides = array<i32>} : memref<2x12800xf32, #tpu.memory_space<vmem>>, vector<16xf32>,
        %parallel_loop3A_325 = tpu.vector_load_idx %arg7[%parallel_loop3A_316] : memref<1000xf32, #tpu.memory_space<vmem>>[vector<16xi32>], vector<16xf32>,
        %parallel_loop3A_326 = arith.subf %parallel_loop3A_320, %parallel_loop3A_324 : vector<16xf32>
        %parallel_loop3A_327 = arith.mulf %parallel_loop3A_326, %parallel_loop3A_326 : vector<16xf32>
        %parallel_loop3A_328 = arith.mulf %parallel_loop3A_325, %parallel_loop3A_327 : vector<16xf32>
        %parallel_loop3A_329 = arith.addf %parallel_loop3A_195, %parallel_loop3A_328 : vector<16xf32>
        %parallel_loop3A_330 = arith.constant 112 : i32
        %parallel_loop3A_331 = arith.addi %parallel_loop3A_188, %parallel_loop3A_330 : i32
        %parallel_loop3A_332 = arith.constant 1 : i32
        %parallel_loop3A_333 = arith.index_cast %parallel_loop3A_332 : i32 to index
        %parallel_loop3A_334 = arith.index_cast %parallel_loop3A_331 : i32 to index
        %parallel_loop3A_335 = tpu.vector_load %arg10[%parallel_loop3A_333, %parallel_loop3A_334] {strides = array<i32>} : memref<2x12800xi32, #tpu.memory_space<vmem>>, vector<16xi32>,
        %parallel_loop3A_336 = arith.constant 1 : i32
        %parallel_loop3A_337 = arith.index_cast %parallel_loop3A_336 : i32 to index
        %parallel_loop3A_338 = arith.index_cast %parallel_loop3A_331 : i32 to index
        %parallel_loop3A_339 = tpu.vector_load %arg8[%parallel_loop3A_337, %parallel_loop3A_338] {strides = array<i32>} : memref<2x12800xf32, #tpu.memory_space<vmem>>, vector<16xf32>,
        %parallel_loop3A_340 = arith.constant 1 : i32
        %parallel_loop3A_341 = arith.index_cast %parallel_loop3A_340 : i32 to index
        %parallel_loop3A_342 = arith.index_cast %parallel_loop3A_331 : i32 to index
        %parallel_loop3A_343 = tpu.vector_load %arg9[%parallel_loop3A_341, %parallel_loop3A_342] {strides = array<i32>} : memref<2x12800xf32, #tpu.memory_space<vmem>>, vector<16xf32>,
        %parallel_loop3A_344 = tpu.vector_load_idx %arg7[%parallel_loop3A_335] : memref<1000xf32, #tpu.memory_space<vmem>>[vector<16xi32>], vector<16xf32>,
        %parallel_loop3A_345 = arith.subf %parallel_loop3A_339, %parallel_loop3A_343 : vector<16xf32>
        %parallel_loop3A_346 = arith.mulf %parallel_loop3A_345, %parallel_loop3A_345 : vector<16xf32>
        %parallel_loop3A_347 = arith.mulf %parallel_loop3A_344, %parallel_loop3A_346 : vector<16xf32>
        %parallel_loop3A_348 = arith.addf %parallel_loop3A_196, %parallel_loop3A_347 : vector<16xf32>
        scf.yield %parallel_loop3A_215, %parallel_loop3A_234, %parallel_loop3A_253, %parallel_loop3A_272, %parallel_loop3A_291, %parallel_loop3A_310, %parallel_loop3A_329, %parallel_loop3A_348 : vector<16xf32>, vector<16xf32>, vector<16xf32>, vector<16xf32>, vector<16xf32>, vector<16xf32>, vector<16xf32>, vector<16xf32>
      } {sc.loop_unroll_factor = 2 : i64, sc.parallel_access}
      %add3A_181 = arith.addf %parallel_loop3A_180#0, %parallel_loop3A_180#1 : vector<16xf32>
      %add3A_182 = arith.addf %add3A_181, %parallel_loop3A_180#2 : vector<16xf32>
      %add3A_183 = arith.addf %add3A_182, %parallel_loop3A_180#3 : vector<16xf32>
      %add3A_184 = arith.addf %add3A_183, %parallel_loop3A_180#4 : vector<16xf32>
      %add3A_185 = arith.addf %add3A_184, %parallel_loop3A_180#5 : vector<16xf32>
      %add3A_186 = arith.addf %add3A_185, %parallel_loop3A_180#6 : vector<16xf32>
      %add3A_187 = arith.addf %add3A_186, %parallel_loop3A_180#7 : vector<16xf32>
      scf.yield %add3A_187 : vector<16xf32>
    }
    %scan3A_36 = arith.constant 4 : i32
    %swap3A = arith.constant 0 : index
    %swap3A_37 = tpu.vector_load %arg11[%swap3A] {strides = array<i32>} : memref<16xf32, #tpu.memory_space<vmem>>, vector<16xf32>,
    tpu.vector_store %arg11[%swap3A], %scan3A_35 {strides = array<i32>} : memref<16xf32, #tpu.memory_space<vmem>>, vector<16xf32>,
    "tpu.region"() ({
      %run_scoped3A = tpu.sem_alloc : memref<!tpu.dma_semaphore, #tpu.memory_space<semaphore_mem>>
      %dma_start3A_38 = arith.constant 0 : i32
      %dma_start3A_39 = tpu.memref_slice %arg6[%add3A, %dma_start3A_38] : memref<32x16xf32, #tpu.memory_space<hbm>> -> memref<1x16xf32, #tpu.memory_space<hbm>>
      %dma_start3A_40 = tpu.memref_squeeze %dma_start3A_39 : memref<1x16xf32, #tpu.memory_space<hbm>> -> memref<16xf32, #tpu.memory_space<hbm>>
      %dma_start3A_41 = arith.constant 0 : i32
      %dma_start3A_42 = tpu.memref_slice %arg6[%add3A, %dma_start3A_41] : memref<32x16xf32, #tpu.memory_space<hbm>> -> memref<1x16xf32, #tpu.memory_space<hbm>>
      %dma_start3A_43 = tpu.memref_squeeze %dma_start3A_42 : memref<1x16xf32, #tpu.memory_space<hbm>> -> memref<16xf32, #tpu.memory_space<hbm>>
      tpu.enqueue_dma source(%arg11 : memref<16xf32, #tpu.memory_space<vmem>>) target(%dma_start3A_43 : memref<16xf32, #tpu.memory_space<hbm>>) target_semaphore(%run_scoped3A : memref<!tpu.dma_semaphore, #tpu.memory_space<semaphore_mem>>)
      %dma_wait3A = arith.constant 0 : i32
      %dma_wait3A_44 = tpu.memref_slice %arg6[%add3A, %dma_wait3A] : memref<32x16xf32, #tpu.memory_space<hbm>> -> memref<1x16xf32, #tpu.memory_space<hbm>>
      %dma_wait3A_45 = tpu.memref_squeeze %dma_wait3A_44 : memref<1x16xf32, #tpu.memory_space<hbm>> -> memref<16xf32, #tpu.memory_space<hbm>>
      %dma_wait3A_46 = arith.constant 0 : i32
      %dma_wait3A_47 = tpu.memref_slice %arg6[%add3A, %dma_wait3A_46] : memref<32x16xf32, #tpu.memory_space<hbm>> -> memref<1x16xf32, #tpu.memory_space<hbm>>
      %dma_wait3A_48 = tpu.memref_squeeze %dma_wait3A_47 : memref<1x16xf32, #tpu.memory_space<hbm>> -> memref<16xf32, #tpu.memory_space<hbm>>
      tpu.wait_dma2 semaphore(%run_scoped3A : memref<!tpu.dma_semaphore, #tpu.memory_space<semaphore_mem>>) src(%arg11 : memref<16xf32, #tpu.memory_space<vmem>>) dst(%dma_wait3A_48 : memref<16xf32, #tpu.memory_space<hbm>>)
      tpu.yield
    }) : () -> ()
    return
  }
}

</mosaic_0001>

<sc_bundles>
// kernel: kernel.3.cloned.1.call-start
scs
__scs_entry_jumppad:
0x0: {  	(pc) =	sbr.rel $0x88, $3  }
0x1: {  	(tag) =	ssettag $0x0;
	lr =	simm.s32 $0x1  }
0x2: {  	[smem:$0x3F9D] =	sst lr;
	_ =	strace $0xD0000000  }
0x3: {  	_ = 	snop  }
0x4: {  	_ = 	snop  }
0x5: {  	_ = 	snop  }
0x6: {  	_ = 	snop  }
0x7: {  	_ = 	snop  }
__scs_overlays_trampoline_lowered:
0x8: {  	[smem:$0x3FAC] =	sst s0  }
0x9: {  	[smem:$0x3FAD] =	sst s1  }
0xa: {  	[smem:$0x3FAE] =	sst s2  }
0xb: {  	[smem:$0x3FAF] =	sst s3  }
0xc: {  	[smem:$0x3FB0] =	sst s4  }
0xd: {  	[smem:$0x3FB1] =	sst s5  }
0xe: {  	[smem:$0x3FB2] =	sst s6  }
0xf: {  	[smem:$0x3FB3] =	sst s7  }
0x10: {  	[smem:$0x3FB4] =	sst s8  }
0x11: {  	[smem:$0x3FB5] =	sst s9;
	s0 =	simm.s32 @!p0 $0x0  }
0x12: {  	s1 =	sld [smem:$0x3F9B];
	s0 =	simm.s32 @p0 $0x1  }
0x13: {  	[smem:$0x3FB6] =	sst s0;
	s0 =	simm.s32 @!p1 $0x0  }
0x14: {  	s2 =	sld [smem:$0x3F9A];
	s0 =	simm.s32 @p1 $0x1  }
0x15: {  	[smem:$0x3FB7] =	sst s0;
	s0 =	simm.s32 @!p2 $0x0  }
0x16: {  	s3 =	sld [smem:$0x3FDB];
	s0 =	simm.s32 @p2 $0x1  }
0x17: {  	s4 =	simm.s32 $0x1BF5;
	[smem:$0x3FB9] =	sst s0  }
0x18: {  	s0 =	sld [smem:$0x3F9C];
	_ =	swait.ge [sflag:s4], $0x0  }
0x19: {  	s7 =	sld [smem:$0x3F9D]  }
0x1a: {  	s8 =	sadd.s32 $0xFFFFE003, lr  }
0x1b: {  	s9 =	sadd.s32 $0xFFFFFEF7, lr;
	s5 =	simm.s32 $0xFFFFFFFF;
	p2 =	slt.u32 s8, $0xFFFFF086  }
0x1c: {  	p1 =	slt.u32 s9, $0xF7A;
	s5 =	simm.s32 @!p2 $0x0  }
0x1d: {  	s5 =	simm.s32 @p1 $0x1;
	p0 =	seq.s32 s7, s2  }
0x1e: {  	s7 =	smul.u32 @!p0 $0xF7A, s2;
	p2 =	seq.s32 @!p0 s5, $0x0  }
0x1f: {  	s9 =	smul.u32 $0xF7A, s1;
	s8 =	simm.s32 @!p0 $0x1BF5;
	p2 =	por !p2, p0  }
0x20: {  	[sflag:s8] =	ssyncset.s32 @!p0 $0xFFFFF086;
	s6 =	sadd.s32 @!p0 s3, s7;
	s7 =	simm.s32 @!p0 $0x108  }
0x21: {  	s3 =	sadd.s32 s3, s9;
	s6 =	sadd.s32 @!p0 $0x88, s6;
	s7 =	simm.s32 @p2 $0x1082  }
0x22: {  	[simem:s7], [sflag:s8] =	dma.local @!p0 [hbm:s6], $0xF7A  }
0x23: {  	s9 =	sor.u32 $0xD0000000, s2;
	s6 =	simm.s32 $0x108;
	_ =	swait.ge @!p0 [sflag:s8], $0x0  }
0x24: {  	s3 =	sadd.s32 $0x88, s3;
	s6 =	simm.s32 @!p1 $0x1082;
	[sflag:s4] =	ssyncset.s32 $0xFFFFF086  }
0x25: {  	[simem:s6], [sflag:s4] =	dma.local [hbm:s3], $0xF7A  }
0x26: {  	[smem:$0x3F9D] =	sst s1;
	(tag) =	ssettag s2;
	_ =	strace s9  }
0x27: {  	s1 =	sld [smem:$0x3FAD]  }
0x28: {  	s2 =	sld [smem:$0x3FAE]  }
0x29: {  	s4 =	sld [smem:$0x3FB0]  }
0x2a: {  	p0 =	seq.s32 s5, $0x0;
	s5 =	sld [smem:$0x3FB1]  }
0x2b: {  	s6 =	sld [smem:$0x3FB2]  }
0x2c: {  	s7 =	sld [smem:$0x3FB3]  }
0x2d: {  	s3 =	simm.s32 $0x108;
	s8 =	sld [smem:$0x3FB4]  }
0x2e: {  	s3 =	simm.s32 @!p0 $0x1082;
	s9 =	sld [smem:$0x3FB5]  }
0x2f: {  	lr =	sadd.s32 s0, s3;
	s0 =	sld [smem:$0x3FAC]  }
0x30: {  	s3 =	sld [smem:$0x3FAF]  }
0x31: {  	[smem:$0x3FB8] =	sst s10  }
0x32: {  	s10 =	sld [smem:$0x3FB6];
	_ =	sdelay $0x3  }
0x33: {  	p0 =	seq.s32 s10, $0x1;
	s10 =	sld [smem:$0x3FB8];
	_ =	sdelay $0x3  }
0x34: {  	[smem:$0x3FB8] =	sst s10  }
0x35: {  	s10 =	sld [smem:$0x3FB7];
	_ =	sdelay $0x3  }
0x36: {  	p1 =	seq.s32 s10, $0x1;
	s10 =	sld [smem:$0x3FB8];
	_ =	sdelay $0x3  }
0x37: {  	[smem:$0x3FB8] =	sst s10  }
0x38: {  	s10 =	sld [smem:$0x3FB9]  }
0x39: {  	_ = 	snop;
	(pc) =	sbr.ind lr, $3  }
0x3a: {  	_ = 	snop  }
0x3b: {  	_ = 	snop  }
0x3c: {  	p2 =	seq.s32 s10, $0x1;
	s10 =	sld [smem:$0x3FB8]  }
0x3d: {  	_ =	shalt  }
0x3e: {  	_ =	shalt  }
0x3f: {  	_ =	shalt  }
0x40: {  	_ =	shalt  }
0x41: {  	_ =	shalt  }
0x42: {  	_ =	shalt  }
0x43: {  	_ =	shalt  }
0x44: {  	_ =	shalt  }
0x45: {  	_ =	shalt  }
0x46: {  	_ =	shalt  }
0x47: {  	_ =	shalt  }
0x48: {  	_ =	shalt  }
0x49: {  	_ =	shalt  }
0x4a: {  	_ =	shalt  }
0x4b: {  	_ =	shalt  }
0x4c: {  	_ =	shalt  }
0x4d: {  	_ =	shalt  }
0x4e: {  	_ =	shalt  }
0x4f: {  	_ =	shalt  }
0x50: {  	_ =	shalt  }
0x51: {  	_ =	shalt  }
0x52: {  	_ =	shalt  }
0x53: {  	_ =	shalt  }
0x54: {  	_ =	shalt  }
0x55: {  	_ =	shalt  }
0x56: {  	_ =	shalt  }
0x57: {  	_ =	shalt  }
0x58: {  	_ =	shalt  }
0x59: {  	_ =	shalt  }
0x5a: {  	_ =	shalt  }
0x5b: {  	_ =	shalt  }
0x5c: {  	_ =	shalt  }
0x5d: {  	_ =	shalt  }
0x5e: {  	_ =	shalt  }
0x5f: {  	_ =	shalt  }
0x60: {  	_ =	shalt  }
0x61: {  	_ =	shalt  }
0x62: {  	_ =	shalt  }
0x63: {  	_ =	shalt  }
0x64: {  	_ =	shalt  }
0x65: {  	_ =	shalt  }
0x66: {  	_ =	shalt  }
0x67: {  	_ =	shalt  }
0x68: {  	_ =	shalt  }
0x69: {  	_ =	shalt  }
0x6a: {  	_ =	shalt  }
0x6b: {  	_ =	shalt  }
0x6c: {  	_ =	shalt  }
0x6d: {  	_ =	shalt  }
0x6e: {  	_ =	shalt  }
0x6f: {  	_ =	shalt  }
0x70: {  	_ =	shalt  }
0x71: {  	_ =	shalt  }
0x72: {  	_ =	shalt  }
0x73: {  	_ =	shalt  }
0x74: {  	_ =	shalt  }
0x75: {  	_ =	shalt  }
0x76: {  	_ =	shalt  }
0x77: {  	_ =	shalt  }
0x78: {  	_ =	shalt  }
0x79: {  	_ =	shalt  }
0x7a: {  	_ =	shalt  }
0x7b: {  	_ =	shalt  }
0x7c: {  	_ =	shalt  }
0x7d: {  	_ =	shalt  }
0x7e: {  	_ =	shalt  }
0x7f: {  	_ =	shalt  }
0x80: {  	_ =	shalt  }
0x81: {  	_ =	shalt  }
0x82: {  	_ =	shalt  }
0x83: {  	_ =	shalt  }
0x84: {  	_ =	shalt  }
0x85: {  	_ =	shalt  }
0x86: {  	_ =	shalt  }
0x87: {  	_ =	shalt  }
.Lfunc_end0:
.L_simem_size_0:
called_computation_lowered:
.L_overlay_start_0:
0x88: {  	s2 =	sld [smem:$0x3FD9]  }
0x89: {  	s3 =	sld [smem:$0x3FFE];
	_ =	sdelay $0x1  }
0x8a: {  	s1 =	srdreg.scid  }
0x8b: {  	s0 =	sand.u32 $0x1, s1  }
0x8c: {  	s17 =	sshll.u32 s0, $0xA;
	s2 =	sadd.s32 s3, s2  }
0x8d: {  	s2 =	sadd.s32 s2, s17  }
0x8e: {  	[smem:$0x3FC4] =	sst s2  }
0x8f: {  	_ = 	snop  }
0x90: {  	s2 =	sld [smem:$0x3FC9]  }
0x91: {  	s18 =	sld [smem:$0x3FC8]  }
0x92: {  	s4 =	sld [smem:$0x3FC7]  }
0x93: {  	s5 =	sld [smem:$0x3FC6];
	(tm) =	ssettm $0x1  }
0x94: {  	s6 =	sld [smem:$0x3FFB];
	_ =	sdelay $0x3  }
0x95: {  	_ =	strace s6  }
0x96: {  	s6 =	sld [smem:$0x3FFC];
	_ =	sdelay $0x3  }
0x97: {  	_ =	strace s6  }
0x98: {  	s6 =	sld [smem:$0x3FFD];
	_ =	sdelay $0x3  }
0x99: {  	_ =	strace s6  }
0x9a: {  	_ =	strace $0x8FFFFFFF  }
0x9b: {  	s19 =	sld [smem:$0x3FDB];
	_ =	sdelay $0x1  }
0x9c: {  	s7 =	simm.s32 $_scs_section_size  }
0x9d: {  	s8 =	simm.s32 $_size__tile_overlayer_lowered;
	s9 =	simm.s32 $_tile_overlayer_lowered  }
0x9e: {  	s22 =	simm.s32 $0x1BFF;
	s21 =	sshll.u32 s9, $0x1;
	s6 =	sadd.s32 s7, s19  }
0x9f: {  	s10 =	simm.s32 $0x0;
	s20 =	sshll.u32 s8, $0x1;
	s8 =	sadd.s32 s21, s6  }
0xa0: {  	[timem:s10], [sflag:s22] =	dma.local [hbm:s8], s20  }
0xa1: {  	_ =	swait.ge [sflag:s22], s20  }
0xa2: {  	s7 =	ssub.s32 $0x0, s20;
	[sflag:s22] =	ssyncset.done $0x0  }
0xa3: {  	[sflag:s22] =	ssyncadd.s32 s7;
	_ =	sdelay $0x1  }
0xa4: {  	s23 =	simm.s32 $0x1B8B  }
0xa5: {  	_ =	swait.ge [sflag:s23], $0x1  }
0xa6: {  	[sflag:s23] =	ssyncset.done $0x0  }
0xa7: {  	s25 =	simm.s32 $0x1B8E;
	s24 =	sld [smem:$0x3FFE];
	[sflag:s23] =	ssyncadd.s32 $0xFFFFFFFF  }
0xa8: {  	s26 =	simm.s32 $execute0_lowered;
	[smem:$0x3FD2] =	sst s25  }
0xa9: {  	s8 =	sshll.u32 s26, $0x1;
	_ =	strace $0x80000046;
	[dreg:$0x1] =	wrdreg $0xFFFFFFFF  }
0xaa: {  	s28 =	simm.s32 $_size_execute0_lowered;
	s6 =	sadd.s32 s6, s8;
	[dreg:$0x0] =	wrdreg $0x0  }
0xab: {  	s8 =	sshll.u32 s28, $0x1;
	[dreg:$0x2] =	wrdreg s6  }
0xac: {  	[dreg:$0x3] =	wrdreg s8  }
0xad: {  	[dreg:$0x4] =	wrdreg $0xC0  }
0xae: {  	_ =	task [dreg:s10], $0x5FFFF  }
0xaf: {  	[dreg:$0x1] =	wrdreg $0xFFFFFFFF  }
0xb0: {  	[dreg:$0x0] =	wrdreg $0x60  }
0xb1: {  	[dreg:$0x2] =	wrdreg s2  }
0xb2: {  	[dreg:$0x3] =	wrdreg s18  }
0xb3: {  	[dreg:$0x4] =	wrdreg s4  }
0xb4: {  	[dreg:$0x5] =	wrdreg s5  }
0xb5: {  	[dreg:$0x6] =	wrdreg s24  }
0xb6: {  	[dreg:$0x7] =	wrdreg $0x9  }
0xb7: {  	_ =	task.clear_ibuf [dreg:s10], $0x8FFFF;
	_ =	strace $0x90000046  }
0xb8: {  	s29 =	simm.s32 $0x9;
	_ =	strace $0x80000048  }
0xb9: {  	_ =	swait.ge [sflag:s29], $0x1  }
0xba: {  	[sflag:s29] =	ssyncadd.s32 $0xFFFFFFFF  }
0xbb: {  	_ =	strace $0x90000048  }
0xbc: {  	_ =	sfence  }
0xbd: {  	s30 =	sld [smem:$0x0];
	_ =	sdelay $0x2  }
0xbe: {  	s31 =	sshll.u32 s1, $0xD;
	s1 =	sshrl.u32 s1, $0x2  }
0xbf: {  	s3 =	sand.u32 $0x4000, s31;
	s1 =	sadd.s32 s1, s30  }
0xc0: {  	s0 =	sor.u32 s3, s0;
	s1 =	sshll.u32 s1, $0x11  }
0xc1: {  	s0 =	sor.u32 s1, s0  }
0xc2: {  	s0 =	sadd.s32 $0x8F2B, s0  }
0xc3: {  	[sflag:s0] =	ssyncadd.remote.s32 $0x1  }
0xc4: {  	_ =	sfence.sel $0xFFFF  }
0xc5: {  	[dreg:$0x0] =	wrdreg $0xFFFFFFFF;
	(pc) =	sbr.abs _section_cstart, $3  }
0xc6: {  	[dreg:$0x1] =	wrdreg $0xFFFFFFFF  }
0xc7: {  	_ =	task.clear_ibuf [dreg:s10], $0x2FFFF;
	_ =	strace $0x9FFFFFFF  }
0xc8: {  	(tm) =	ssettm $0x7FFFFFFF  }
0xc9: {  	_ =	shalt  }
tec
execute0_lowered:
.L_overlay_start_1:
0x0: {  	(tag) =	ssettag $0x1  }
0x1: {  	s1 =	rddreg [dreg:$0x0]  }
0x2: {  	s2 =	rddreg [dreg:$0x1]  }
0x3: {  	s3 =	rddreg [dreg:$0x2]  }
0x4: {  	s4 =	srdreg.scid;
	s5 =	rddreg [dreg:$0x3]  }
0x5: {  	s0 =	stileid.u32;
	s12 =	rddreg [dreg:$0x4];
	s6 =	simm.s32 $0x0  }
0x6: {  	s15 =	simm.s32 $0x1;
	s16 =	simm.s32 $0x2;
	s17 =	simm.s32 $0x13000  }
0x7: {  	s18 =	simm.s32 $0x0;
	s7 =	sand.u32 $0x1, s4;
	s31 =	sshll.u32 s0, $0x1  }
0x8: {  	s4 =	rddreg [dreg:$0x5];
	s10 =	sor.u32 s7, s31;
	s7 =	ssub.s32 $0x2, s7  }
0x9: {  	[smem:$0x7FF] =	sst s6;
	s11 =	smul.u32 $0x19000, s10;
	s8 =	sshrl.u32 s7, $0x1  }
0xa: {  	_ =	strace $0x80000047;
	s14 =	sshll.u32 s10, $0x4;
	s13 =	ssub.s32 s7, s8  }
0xb: {  	s12 =	sadd.s32 s12, s14;
	s14 =	simm.s32 $0x3;
	s9 =	sshrl.u32 s11, $0x3  }
0xc: {  	s10 =	sadd.s32 $0x3200, s11;
	s11 =	sadd.s32 $0x6400, s11;
	s13 =	smax.u32 s13, $0x1  }
0xd: {  	s7 =	sadd.s32 s1, s9;
	s8 =	sadd.s32 s2, s9;
	s9 =	sadd.s32 s3, s9  }
.LBB2_1:
0xe: {  	[tilespmem:s6], [sflag:$0x3] =	stream.linear.gather [hbm4b:s5+s6], $0x400, $0x38;
	[tilespmem:$0x13080] =	vst v63  }
0xf: {  	_ =	swait.ge [sflag:s14], $0x400  }
0x10: {  	s19 =	simm.s32 $0x400;
	s20 =	simm.s32 $0x10;
	[sflag:s14] =	ssyncset.done $0x0  }
0x11: {  	s22 =	sadd.s32 $0x0, s7;
	s21 =	simm.s32 $0x500;
	[sflag:s14] =	ssyncadd.s32 $0xFFFFFC00  }
.LBB2_2:
0x12: {  	[tilespmem:s19], [sflag:$0x1] =	stream.linear.gather [hbm4b:s22+s6], $0x80, $0x38;
	[tilespmem:$0x13080] =	vst v63  }
0x13: {  	s22 =	smov.u32 s20;
	s19 =	smov.u32 s21;
	p0 =	sne.s32 s20, $0x630  }
.Ltmp0:
0x14: {  	s20 =	sadd.s32 $0x10, s20;
	(pc) =	sbr.rel @p0 .LBB2_2-.Ltmp0, $2  }
0x15: {  	_ =	sdelay $0x2  }
0x16: {  	s21 =	sadd.s32 $0x100, s21;
	s22 =	sadd.s32 s22, s7  }
0x17: {  	[tilespmem:s19], [sflag:$0x1] =	stream.linear.gather [hbm4b:s22+s6], $0x80, $0x38;
	[tilespmem:$0x13080] =	vst v63  }
0x18: {  	s19 =	simm.s32 $0x6800  }
0x19: {  	s20 =	simm.s32 $0x10;
	s22 =	sadd.s32 $0x0, s8;
	s21 =	simm.s32 $0x6900  }
.LBB2_4:
0x1a: {  	[tilespmem:s19], [sflag:$0x1] =	stream.linear.gather [hbm4b:s22+s6], $0x80, $0x38;
	[tilespmem:$0x13080] =	vst v63  }
0x1b: {  	s22 =	smov.u32 s20;
	s19 =	smov.u32 s21;
	p0 =	sne.s32 s20, $0x630  }
.Ltmp1:
0x1c: {  	s20 =	sadd.s32 $0x10, s20;
	(pc) =	sbr.rel @p0 .LBB2_4-.Ltmp1, $2  }
0x1d: {  	_ =	sdelay $0x2  }
0x1e: {  	s21 =	sadd.s32 $0x100, s21;
	s22 =	sadd.s32 s22, s8  }
0x1f: {  	[tilespmem:s19], [sflag:$0x1] =	stream.linear.gather [hbm4b:s22+s6], $0x80, $0x38;
	[tilespmem:$0x13080] =	vst v63  }
0x20: {  	s19 =	simm.s32 $0x0;
	s20 =	simm.s32 $0xCC00;
	s21 =	simm.s32 $0x0  }
.LBB2_6:
0x21: {  	p0 =	sne.s32 s21, $0x630  }
.Ltmp2:
0x22: {  	_ = 	snop;
	(pc) =	sbr.rel @p0 .LBB2_6-.Ltmp2, $4  }
0x23: {  	_ = 	snop  }
0x24: {  	s22 =	sadd.s32 s21, s9  }
0x25: {  	[tilespmem:s20], [sflag:$0x1] =	stream.linear.gather [hbm4b:s22+s19], $0x80, $0x38;
	[tilespmem:$0x13080] =	vst v63  }
0x26: {  	s21 =	sadd.s32 $0x10, s21;
	s20 =	sadd.s32 $0x100, s20  }
0x27: {  	v0 =	vimm.f32 $0.0e+00  }
.LBB2_8:
0x28: {  	s20 =	smul.u32 $0x6400, s19;
	_ =	sdelay $0x1  }
0x29: {  	s21 =	sadd.s32 s20, s10  }
0x2a: {  	s21 =	sshrl.u32 s21, $0x3  }
0x2b: {  	s23 =	simm.s32 $0x480;
	s22 =	sadd.s32 s1, s21  }
0x2c: {  	s24 =	simm.s32 $0x10;
	s25 =	simm.s32 $0x580;
	s26 =	sadd.s32 $0x0, s22  }
.LBB2_9:
0x2d: {  	[tilespmem:s23], [sflag:$0x2] =	stream.linear.gather [hbm4b:s26+s6], $0x80, $0x38;
	[tilespmem:$0x13080] =	vst v63  }
0x2e: {  	s26 =	smov.u32 s24;
	s23 =	smov.u32 s25;
	p0 =	sne.s32 s24, $0x630  }
.Ltmp3:
0x2f: {  	s24 =	sadd.s32 $0x10, s24;
	(pc) =	sbr.rel @p0 .LBB2_9-.Ltmp3, $2  }
0x30: {  	_ =	sdelay $0x2  }
0x31: {  	s25 =	sadd.s32 $0x100, s25;
	s26 =	sadd.s32 s26, s22  }
0x32: {  	[tilespmem:s23], [sflag:$0x2] =	stream.linear.gather [hbm4b:s26+s6], $0x80, $0x38;
	[tilespmem:$0x13080] =	vst v63  }
0x33: {  	s22 =	sadd.s32 s2, s21;
	s23 =	simm.s32 $0x6880  }
0x34: {  	s24 =	simm.s32 $0x10;
	s25 =	simm.s32 $0x6980;
	s26 =	sadd.s32 $0x0, s22  }
.LBB2_11:
0x35: {  	[tilespmem:s23], [sflag:$0x2] =	stream.linear.gather [hbm4b:s26+s6], $0x80, $0x38;
	[tilespmem:$0x13080] =	vst v63  }
0x36: {  	s26 =	smov.u32 s24;
	s23 =	smov.u32 s25;
	p0 =	sne.s32 s24, $0x630  }
.Ltmp4:
0x37: {  	s24 =	sadd.s32 $0x10, s24;
	(pc) =	sbr.rel @p0 .LBB2_11-.Ltmp4, $2  }
0x38: {  	_ =	sdelay $0x2  }
0x39: {  	s25 =	sadd.s32 $0x100, s25;
	s26 =	sadd.s32 s26, s22  }
0x3a: {  	[tilespmem:s23], [sflag:$0x2] =	stream.linear.gather [hbm4b:s26+s6], $0x80, $0x38;
	[tilespmem:$0x13080] =	vst v63  }
0x3b: {  	s21 =	sadd.s32 s3, s21;
	s22 =	simm.s32 $0xCC80  }
0x3c: {  	s23 =	simm.s32 $0x10;
	s24 =	simm.s32 $0xCD80;
	s25 =	sadd.s32 $0x0, s21  }
.LBB2_13:
0x3d: {  	[tilespmem:s22], [sflag:$0x2] =	stream.linear.gather [hbm4b:s25+s6], $0x80, $0x38;
	[tilespmem:$0x13080] =	vst v63  }
0x3e: {  	s25 =	smov.u32 s23;
	s22 =	smov.u32 s24;
	p0 =	sne.s32 s23, $0x630  }
.Ltmp5:
0x3f: {  	s23 =	sadd.s32 $0x10, s23;
	(pc) =	sbr.rel @p0 .LBB2_13-.Ltmp5, $2  }
0x40: {  	_ =	sdelay $0x2  }
0x41: {  	s24 =	sadd.s32 $0x100, s24;
	s25 =	sadd.s32 s25, s21  }
0x42: {  	[tilespmem:s22], [sflag:$0x2] =	stream.linear.gather [hbm4b:s25+s6], $0x80, $0x38;
	[tilespmem:$0x13080] =	vst v63  }
0x43: {  	_ =	swait.ge [sflag:s15], $0x3200  }
0x44: {  	[sflag:s15] =	ssyncset.done $0x0  }
0x45: {  	[sflag:s15] =	ssyncadd.s32 $0xFFFFCE00  }
0x46: {  	_ =	swait.ge [sflag:s15], $0x3200  }
0x47: {  	[sflag:s15] =	ssyncset.done $0x0  }
0x48: {  	[sflag:s15] =	ssyncadd.s32 $0xFFFFCE00  }
0x49: {  	_ =	swait.ge [sflag:s15], $0x3200  }
0x4a: {  	[sflag:s15] =	ssyncset.done $0x0  }
0x4b: {  	s31 =	simm.s32 $0x500;
	[sflag:s15] =	ssyncadd.s32 $0xFFFFCE00  }
0x4c: {  	s21 =	simm.s32 $0x6900;
	v1 =	vld [tilespmem:s31+$0x0]  }
0x4d: {  	v2 =	vld [tilespmem:s21+$0x0]  }
0x4e: {  	v3 =	vld [tilespmem:s31+$0x10]  }
0x4f: {  	v4 =	vld [tilespmem:s21+$0x10]  }
0x50: {  	v5 =	vld [tilespmem:s31+$0x20]  }
0x51: {  	v6 =	vld [tilespmem:s21+$0x20]  }
0x52: {  	v7 =	vld [tilespmem:s31+$0x30]  }
0x53: {  	v8 =	vld [tilespmem:s21+$0x30]  }
0x54: {  	v9 =	vld [tilespmem:s31+$0x40]  }
0x55: {  	v10 =	vld [tilespmem:s21+$0x40]  }
0x56: {  	v11 =	vld [tilespmem:s31+$0x50]  }
0x57: {  	v12 =	vld [tilespmem:s21+$0x50]  }
0x58: {  	v13 =	vld [tilespmem:s31+$0x60]  }
0x59: {  	v14 =	vld [tilespmem:s21+$0x60]  }
0x5a: {  	v15 =	vld [tilespmem:s31+$0x70]  }
0x5b: {  	v16 =	vld [tilespmem:s21+$0x70]  }
0x5c: {  	v17 =	vld [tilespmem:s31+$0xFFFFFF00]  }
0x5d: {  	v18 =	vld [tilespmem:s21+$0xFFFFFF00]  }
0x5e: {  	v19 =	vld [tilespmem:s31+$0xFFFFFF10]  }
0x5f: {  	v20 =	vld [tilespmem:s21+$0xFFFFFF10]  }
0x60: {  	v21 =	vld [tilespmem:s31+$0xFFFFFF20]  }
0x61: {  	v22 =	vld [tilespmem:s21+$0xFFFFFF20]  }
0x62: {  	v23 =	vld [tilespmem:s31+$0xFFFFFF30]  }
0x63: {  	v24 =	vld [tilespmem:s21+$0xFFFFFF30]  }
0x64: {  	v25 =	vld [tilespmem:s31+$0xFFFFFF40]  }
0x65: {  	v26 =	vld [tilespmem:s21+$0xFFFFFF40]  }
0x66: {  	v27 =	vld [tilespmem:s31+$0xFFFFFF50]  }
0x67: {  	v28 =	vld [tilespmem:s21+$0xFFFFFF50]  }
0x68: {  	v29 =	vld [tilespmem:s31+$0xFFFFFF60]  }
0x69: {  	v30 =	vld [tilespmem:s21+$0xFFFFFF60]  }
0x6a: {  	v31 =	vld [tilespmem:s31+$0xFFFFFF70]  }
0x6b: {  	s22 =	simm.s32 $0xCD00;
	v32 =	vld [tilespmem:s21+$0xFFFFFF70]  }
0x6c: {  	v33 =	vld [tilespmem:s22+$0x0]  }
0x6d: {  	v34 =	vld [tilespmem:s22+$0x10]  }
0x6e: {  	v35 =	vld [tilespmem:s22+$0x20]  }
0x6f: {  	v36 =	vld [tilespmem:s22+$0x30]  }
0x70: {  	v37 =	vld [tilespmem:s22+$0x40]  }
0x71: {  	v38 =	vld [tilespmem:s22+$0x50]  }
0x72: {  	v39 =	vld [tilespmem:s22+$0x60]  }
0x73: {  	v40 =	vld [tilespmem:s22+$0x70]  }
0x74: {  	v41 =	vld [tilespmem:s22+$0xFFFFFF00]  }
0x75: {  	v42 =	vld [tilespmem:s22+$0xFFFFFF10]  }
0x76: {  	v43 =	vld [tilespmem:s22+$0xFFFFFF20]  }
0x77: {  	v44 =	vld [tilespmem:s22+$0xFFFFFF30]  }
0x78: {  	v45 =	vld [tilespmem:s22+$0xFFFFFF40]  }
0x79: {  	v46 =	vld [tilespmem:s22+$0xFFFFFF50];
	v1 =	vsub.f32 v1, v2;
	v2 =	vsub.f32 v3, v4  }
0x7a: {  	v3 =	vld [tilespmem:s22+$0xFFFFFF60];
	v4 =	vsub.f32 v5, v6;
	v5 =	vsub.f32 v7, v8  }
0x7b: {  	v6 =	vld [tilespmem:s22+$0xFFFFFF70];
	v7 =	vsub.f32 v9, v10;
	v8 =	vsub.f32 v11, v12  }
0x7c: {  	v9 =	vsub.f32 v13, v14;
	v12 =	vsub.f32 v15, v16;
	v11 =	vld.idx.msk [tilespmem:v33+s6+$0x0], $0xffff  }
0x7d: {  	v13 =	vsub.f32 v17, v18;
	v14 =	vsub.f32 v19, v20;
	v15 =	vld.idx.msk [tilespmem:v34+s6+$0x0], $0xffff  }
0x7e: {  	v17 =	vsub.f32 v21, v22;
	v1 =	vmul.f32 v1, v1;
	v2 =	vmul.f32 v2, v2;
	v16 =	vld.idx.msk [tilespmem:v35+s6+$0x0], $0xffff  }
0x7f: {  	v18 =	vsub.f32 v23, v24;
	v4 =	vmul.f32 v4, v4;
	v5 =	vmul.f32 v5, v5;
	v20 =	vld.idx.msk [tilespmem:v36+s6+$0x0], $0xffff  }
0x80: {  	v19 =	vsub.f32 v25, v26;
	v7 =	vmul.f32 v7, v7;
	v22 =	vmul.f32 v8, v8;
	v21 =	vld.idx.msk [tilespmem:v37+s6+$0x0], $0xffff  }
0x81: {  	v8 =	vsub.f32 v27, v28;
	v10 =	vmul.f32 v9, v9;
	v9 =	vmul.f32 v12, v12;
	v24 =	vld.idx.msk [tilespmem:v38+s6+$0x0], $0xffff  }
0x82: {  	v26 =	vmul.f32 v13, v13;
	v27 =	vmul.f32 v14, v14;
	v12 =	vsub.f32 v29, v30;
	v25 =	vld.idx.msk [tilespmem:v41+s6+$0x0], $0xffff  }
0x83: {  	v30 =	vmul.f32 v17, v17;
	v62 =	vmul.f32 v18, v18;
	v13 =	vsub.f32 v31, v32;
	v29 =	vld.idx.msk [tilespmem:v42+s6+$0x0], $0xffff  }
0x84: {  	v19 =	vmul.f32 v19, v19;
	v31 =	vld.idx.msk [tilespmem:v43+s6+$0x0], $0xffff;
	v8 =	vmul.f32 v8, v8  }
0x85: {  	v63 =	vld.idx.msk [tilespmem:v44+s6+$0x0], $0xffff;
	v14 =	vmul.f32 v12, v12;
	v13 =	vmul.f32 v13, v13  }
0x86: {  	v17 =	vmul.f32 v1, v11;
	v18 =	vmul.f32 v2, v15  }
0x87: {  	v23 =	vld.idx.msk [tilespmem:v45+s6+$0x0], $0xffff;
	v15 =	vmul.f32 v4, v16;
	v16 =	vmul.f32 v5, v20  }
0x88: {  	v20 =	vld.idx.msk [tilespmem:v46+s6+$0x0], $0xffff;
	v11 =	vmul.f32 v7, v21;
	v12 =	vmul.f32 v22, v24  }
0x89: {  	v24 =	vld.idx.msk [tilespmem:v3+s6+$0x0], $0xffff;
	v28 =	vmul.f32 v26, v25;
	v29 =	vmul.f32 v27, v29  }
0x8a: {  	v5 =	vimm.f32 $0.0e+00;
	v25 =	vld.idx.msk [tilespmem:v6+s6+$0x0], $0xffff;
	v26 =	vmul.f32 v30, v31;
	v27 =	vmul.f32 v62, v63  }
0x8b: {  	v21 =	vld.idx.msk [tilespmem:v39+s6+$0x0], $0xffff;
	v6 =	vimm.f32 $0.0e+00;
	v7 =	vimm.f32 $0.0e+00;
	v1 =	vimm.f32 $0.0e+00  }
0x8c: {  	s23 =	simm.s32 $0x0;
	s24 =	simm.s32 $0x700;
	v22 =	vld.idx.msk [tilespmem:v40+s6+$0x0], $0xffff;
	v4 =	vimm.f32 $0.0e+00;
	v2 =	vimm.f32 $0.0e+00;
	v3 =	vimm.f32 $0.0e+00  }
.LBB2_15:
0x8d: {  	v30 =	vld [tilespmem:s24+$0x0];
	v0 =	vadd.f32 v28, v0;
	v5 =	vadd.f32 v29, v5;
	v19 =	vmul.f32 v19, v23;
	s21 =	sadd.s32 $0x200, s21  }
0x8e: {  	v8 =	vmul.f32 v8, v20;
	v23 =	vld [tilespmem:s21+$0x0];
	v6 =	vadd.f32 v26, v6;
	v7 =	vadd.f32 v27, v7  }
0x8f: {  	v14 =	vmul.f32 v14, v24;
	v20 =	vld [tilespmem:s24+$0x10];
	v0 =	vadd.f32 v17, v0;
	v5 =	vadd.f32 v18, v5  }
0x90: {  	v13 =	vmul.f32 v13, v25;
	v17 =	vld [tilespmem:s21+$0x10];
	v6 =	vadd.f32 v15, v6;
	v7 =	vadd.f32 v16, v7  }
0x91: {  	v1 =	vadd.f32 v19, v1;
	v4 =	vadd.f32 v8, v4;
	v8 =	vmul.f32 v10, v21;
	v15 =	vld [tilespmem:s24+$0x20]  }
0x92: {  	v2 =	vadd.f32 v14, v2;
	v3 =	vadd.f32 v13, v3;
	v9 =	vmul.f32 v9, v22;
	v10 =	vld [tilespmem:s21+$0x20]  }
0x93: {  	v1 =	vadd.f32 v11, v1;
	v4 =	vadd.f32 v12, v4;
	v13 =	vld [tilespmem:s24+$0x30]  }
0x94: {  	v2 =	vadd.f32 v8, v2;
	v3 =	vadd.f32 v9, v3;
	v11 =	vld [tilespmem:s21+$0x30]  }
0x95: {  	v8 =	vld [tilespmem:s24+$0x40]  }
0x96: {  	v9 =	vld [tilespmem:s21+$0x40]  }
0x97: {  	v12 =	vld [tilespmem:s24+$0x50]  }
0x98: {  	v14 =	vld [tilespmem:s21+$0x50]  }
0x99: {  	v16 =	vld [tilespmem:s24+$0x60]  }
0x9a: {  	v18 =	vld [tilespmem:s21+$0x60]  }
0x9b: {  	v19 =	vld [tilespmem:s24+$0x70]  }
0x9c: {  	v21 =	vld [tilespmem:s21+$0x70]  }
0x9d: {  	v22 =	vld [tilespmem:s24+$0xFFFFFF00]  }
0x9e: {  	v24 =	vld [tilespmem:s21+$0xFFFFFF00]  }
0x9f: {  	v25 =	vld [tilespmem:s24+$0xFFFFFF10]  }
0xa0: {  	v26 =	vld [tilespmem:s21+$0xFFFFFF10]  }
0xa1: {  	v27 =	vld [tilespmem:s24+$0xFFFFFF20]  }
0xa2: {  	v28 =	vld [tilespmem:s21+$0xFFFFFF20]  }
0xa3: {  	v29 =	vld [tilespmem:s24+$0xFFFFFF30]  }
0xa4: {  	v31 =	vld [tilespmem:s21+$0xFFFFFF30]  }
0xa5: {  	v32 =	vld [tilespmem:s24+$0xFFFFFF40]  }
0xa6: {  	v33 =	vld [tilespmem:s21+$0xFFFFFF40]  }
0xa7: {  	v34 =	vld [tilespmem:s24+$0xFFFFFF50]  }
0xa8: {  	v35 =	vld [tilespmem:s21+$0xFFFFFF50]  }
0xa9: {  	v36 =	vld [tilespmem:s24+$0xFFFFFF60]  }
0xaa: {  	v37 =	vld [tilespmem:s21+$0xFFFFFF60]  }
0xab: {  	v38 =	vld [tilespmem:s24+$0xFFFFFF70]  }
0xac: {  	s22 =	sadd.s32 $0x200, s22;
	v39 =	vld [tilespmem:s21+$0xFFFFFF70]  }
0xad: {  	v40 =	vld [tilespmem:s22+$0x0]  }
0xae: {  	v41 =	vld [tilespmem:s22+$0x10]  }
0xaf: {  	v42 =	vld [tilespmem:s22+$0x20]  }
0xb0: {  	v43 =	vld [tilespmem:s22+$0x30]  }
0xb1: {  	v44 =	vld [tilespmem:s22+$0x40]  }
0xb2: {  	v45 =	vld [tilespmem:s22+$0x50]  }
0xb3: {  	v46 =	vld [tilespmem:s22+$0x60]  }
0xb4: {  	v47 =	vld [tilespmem:s22+$0x70]  }
0xb5: {  	v48 =	vld [tilespmem:s22+$0xFFFFFF00]  }
0xb6: {  	v49 =	vld [tilespmem:s22+$0xFFFFFF10]  }
0xb7: {  	v50 =	vld [tilespmem:s22+$0xFFFFFF20]  }
0xb8: {  	v51 =	vld [tilespmem:s22+$0xFFFFFF30]  }
0xb9: {  	v52 =	vld [tilespmem:s22+$0xFFFFFF40]  }
0xba: {  	v53 =	vld [tilespmem:s22+$0xFFFFFF50]  }
0xbb: {  	v23 =	vsub.f32 v30, v23;
	v17 =	vsub.f32 v20, v17;
	v54 =	vld [tilespmem:s22+$0xFFFFFF60]  }
0xbc: {  	v10 =	vsub.f32 v15, v10;
	v11 =	vsub.f32 v13, v11;
	v30 =	vld [tilespmem:s22+$0xFFFFFF70]  }
0xbd: {  	v8 =	vsub.f32 v8, v9;
	v9 =	vsub.f32 v12, v14;
	v15 =	vld.idx.msk [tilespmem:v40+s6+$0x0], $0xffff  }
0xbe: {  	v13 =	vsub.f32 v16, v18;
	v14 =	vsub.f32 v19, v21;
	v12 =	vld.idx.msk [tilespmem:v41+s6+$0x0], $0xffff  }
0xbf: {  	v16 =	vsub.f32 v22, v24;
	v18 =	vsub.f32 v25, v26;
	v21 =	vld.idx.msk [tilespmem:v42+s6+$0x0], $0xffff  }
0xc0: {  	v22 =	vmul.f32 v23, v23;
	v24 =	vmul.f32 v17, v17;
	v19 =	vsub.f32 v27, v28;
	v25 =	vld.idx.msk [tilespmem:v43+s6+$0x0], $0xffff  }
0xc1: {  	v11 =	vmul.f32 v11, v11;
	v26 =	vmul.f32 v10, v10;
	v17 =	vsub.f32 v29, v31;
	v27 =	vld.idx.msk [tilespmem:v44+s6+$0x0], $0xffff  }
0xc2: {  	s23 =	sadd.s32 $0x100, s23;
	v28 =	vmul.f32 v8, v8;
	v31 =	vmul.f32 v9, v9;
	v20 =	vsub.f32 v32, v33;
	v29 =	vld.idx.msk [tilespmem:v45+s6+$0x0], $0xffff  }
0xc3: {  	p0 =	slt.u32 s23, $0x3100;
	v10 =	vmul.f32 v13, v13;
	v9 =	vmul.f32 v14, v14;
	v8 =	vsub.f32 v34, v35;
	v32 =	vld.idx.msk [tilespmem:v48+s6+$0x0], $0xffff  }
0xc4: {  	v33 =	vmul.f32 v16, v16;
	v35 =	vmul.f32 v18, v18;
	v13 =	vsub.f32 v36, v37;
	v34 =	vld.idx.msk [tilespmem:v49+s6+$0x0], $0xffff  }
0xc5: {  	v37 =	vmul.f32 v19, v19;
	v16 =	vsub.f32 v38, v39;
	v40 =	vmul.f32 v17, v17;
	v36 =	vld.idx.msk [tilespmem:v50+s6+$0x0], $0xffff  }
0xc6: {  	v19 =	vmul.f32 v20, v20;
	v8 =	vmul.f32 v8, v8;
	v38 =	vld.idx.msk [tilespmem:v51+s6+$0x0], $0xffff  }
0xc7: {  	v14 =	vmul.f32 v13, v13;
	v13 =	vmul.f32 v16, v16;
	v23 =	vld.idx.msk [tilespmem:v52+s6+$0x0], $0xffff  }
.Ltmp6:
0xc8: {  	v17 =	vmul.f32 v22, v15;
	v18 =	vmul.f32 v24, v12;
	v20 =	vld.idx.msk [tilespmem:v53+s6+$0x0], $0xffff;
	(pc) =	sbr.rel @p0 .LBB2_15-.Ltmp6, $4  }
0xc9: {  	v15 =	vmul.f32 v26, v21;
	v16 =	vmul.f32 v11, v25;
	v24 =	vld.idx.msk [tilespmem:v54+s6+$0x0], $0xffff  }
0xca: {  	v11 =	vmul.f32 v28, v27;
	v12 =	vmul.f32 v31, v29;
	v25 =	vld.idx.msk [tilespmem:v30+s6+$0x0], $0xffff  }
0xcb: {  	v28 =	vmul.f32 v33, v32;
	v29 =	vmul.f32 v35, v34;
	v21 =	vld.idx.msk [tilespmem:v46+s6+$0x0], $0xffff  }
0xcc: {  	s24 =	sadd.s32 $0x200, s24;
	v26 =	vmul.f32 v37, v36;
	v27 =	vmul.f32 v40, v38;
	v22 =	vld.idx.msk [tilespmem:v47+s6+$0x0], $0xffff  }
0xcd: {  	v0 =	vadd.f32 v28, v0;
	v5 =	vadd.f32 v29, v5;
	v19 =	vmul.f32 v19, v23  }
0xce: {  	v20 =	vmul.f32 v8, v20;
	v61 =	vadd.f32 v26, v6;
	v62 =	vadd.f32 v27, v7  }
0xcf: {  	p0 =	seq.s32 s19, $0x3;
	v14 =	vmul.f32 v14, v24;
	v6 =	vadd.f32 v17, v0;
	v8 =	vadd.f32 v18, v5  }
.Ltmp7:
0xd0: {  	v0 =	vmul.f32 v13, v25;
	v1 =	vadd.f32 v19, v1;
	v4 =	vadd.f32 v20, v4;
	(pc) =	sbr.rel @p0 .LBB2_24-.Ltmp7, $4  }
0xd1: {  	v7 =	vadd.f32 v15, v61;
	v5 =	vadd.f32 v16, v62;
	v10 =	vmul.f32 v10, v21  }
0xd2: {  	v63 =	vadd.f32 v14, v2;
	v0 =	vadd.f32 v0, v3;
	v9 =	vmul.f32 v9, v22  }
0xd3: {  	v3 =	vadd.f32 v11, v1;
	v2 =	vadd.f32 v12, v4  }
0xd4: {  	v1 =	vadd.f32 v10, v63;
	v0 =	vadd.f32 v9, v0  }
0xd5: {  	s20 =	sadd.s32 s20, s11  }
0xd6: {  	s20 =	sshrl.u32 s20, $0x3  }
0xd7: {  	s22 =	simm.s32 $0x400;
	s21 =	sadd.s32 s1, s20  }
0xd8: {  	s23 =	simm.s32 $0x10;
	s24 =	simm.s32 $0x500;
	s25 =	sadd.s32 $0x0, s21  }
.LBB2_18:
0xd9: {  	[tilespmem:s22], [sflag:$0x1] =	stream.linear.gather [hbm4b:s25+s6], $0x80, $0x38;
	[tilespmem:$0x13080] =	vst v63  }
0xda: {  	s25 =	smov.u32 s23;
	s22 =	smov.u32 s24;
	p0 =	sne.s32 s23, $0x630  }
.Ltmp8:
0xdb: {  	s23 =	sadd.s32 $0x10, s23;
	(pc) =	sbr.rel @p0 .LBB2_18-.Ltmp8, $2  }
0xdc: {  	_ =	sdelay $0x2  }
0xdd: {  	s24 =	sadd.s32 $0x100, s24;
	s25 =	sadd.s32 s25, s21  }
0xde: {  	[tilespmem:s22], [sflag:$0x1] =	stream.linear.gather [hbm4b:s25+s6], $0x80, $0x38;
	[tilespmem:$0x13080] =	vst v63  }
0xdf: {  	s21 =	sadd.s32 s2, s20;
	s22 =	simm.s32 $0x6800  }
0xe0: {  	s23 =	simm.s32 $0x10;
	s24 =	simm.s32 $0x6900;
	s25 =	sadd.s32 $0x0, s21  }
.LBB2_20:
0xe1: {  	[tilespmem:s22], [sflag:$0x1] =	stream.linear.gather [hbm4b:s25+s6], $0x80, $0x38;
	[tilespmem:$0x13080] =	vst v63  }
0xe2: {  	s25 =	smov.u32 s23;
	s22 =	smov.u32 s24;
	p0 =	sne.s32 s23, $0x630  }
.Ltmp9:
0xe3: {  	s23 =	sadd.s32 $0x10, s23;
	(pc) =	sbr.rel @p0 .LBB2_20-.Ltmp9, $2  }
0xe4: {  	_ =	sdelay $0x2  }
0xe5: {  	s24 =	sadd.s32 $0x100, s24;
	s25 =	sadd.s32 s25, s21  }
0xe6: {  	[tilespmem:s22], [sflag:$0x1] =	stream.linear.gather [hbm4b:s25+s6], $0x80, $0x38;
	[tilespmem:$0x13080] =	vst v63  }
0xe7: {  	s20 =	sadd.s32 s3, s20;
	s21 =	simm.s32 $0xCC00  }
0xe8: {  	s22 =	simm.s32 $0x10;
	s23 =	simm.s32 $0xCD00;
	s24 =	sadd.s32 $0x0, s20  }
.LBB2_22:
0xe9: {  	[tilespmem:s21], [sflag:$0x1] =	stream.linear.gather [hbm4b:s24+s6], $0x80, $0x38;
	[tilespmem:$0x13080] =	vst v63  }
0xea: {  	s24 =	smov.u32 s22;
	s21 =	smov.u32 s23;
	p0 =	sne.s32 s22, $0x630  }
.Ltmp10:
0xeb: {  	s22 =	sadd.s32 $0x10, s22;
	(pc) =	sbr.rel @p0 .LBB2_22-.Ltmp10, $2  }
0xec: {  	_ =	sdelay $0x2  }
0xed: {  	s23 =	sadd.s32 $0x100, s23;
	s24 =	sadd.s32 s24, s20  }
0xee: {  	[tilespmem:s21], [sflag:$0x1] =	stream.linear.gather [hbm4b:s24+s6], $0x80, $0x38;
	[tilespmem:$0x13080] =	vst v63  }
.LBB2_24:
0xef: {  	_ =	swait.ge [sflag:s16], $0x3200  }
0xf0: {  	[sflag:s16] =	ssyncset.done $0x0  }
0xf1: {  	[sflag:s16] =	ssyncadd.s32 $0xFFFFCE00  }
0xf2: {  	_ =	swait.ge [sflag:s16], $0x3200  }
0xf3: {  	[sflag:s16] =	ssyncset.done $0x0  }
0xf4: {  	[sflag:s16] =	ssyncadd.s32 $0xFFFFCE00  }
0xf5: {  	_ =	swait.ge [sflag:s16], $0x3200  }
0xf6: {  	[sflag:s16] =	ssyncset.done $0x0  }
0xf7: {  	s21 =	simm.s32 $0x580;
	[sflag:s16] =	ssyncadd.s32 $0xFFFFCE00  }
0xf8: {  	s20 =	simm.s32 $0x6980;
	v4 =	vld [tilespmem:s21+$0x0]  }
0xf9: {  	v9 =	vld [tilespmem:s20+$0x0]  }
0xfa: {  	v10 =	vld [tilespmem:s21+$0x10]  }
0xfb: {  	v11 =	vld [tilespmem:s20+$0x10]  }
0xfc: {  	v12 =	vld [tilespmem:s21+$0x20]  }
0xfd: {  	v13 =	vld [tilespmem:s20+$0x20]  }
0xfe: {  	v14 =	vld [tilespmem:s21+$0x30]  }
0xff: {  	v15 =	vld [tilespmem:s20+$0x30]  }
0x100: {  	v16 =	vld [tilespmem:s21+$0x40]  }
0x101: {  	v17 =	vld [tilespmem:s20+$0x40]  }
0x102: {  	v18 =	vld [tilespmem:s21+$0x50]  }
0x103: {  	v19 =	vld [tilespmem:s20+$0x50]  }
0x104: {  	v20 =	vld [tilespmem:s21+$0x60]  }
0x105: {  	v21 =	vld [tilespmem:s20+$0x60]  }
0x106: {  	v22 =	vld [tilespmem:s21+$0x70]  }
0x107: {  	v23 =	vld [tilespmem:s20+$0x70]  }
0x108: {  	v24 =	vld [tilespmem:s21+$0xFFFFFF00]  }
0x109: {  	v25 =	vld [tilespmem:s20+$0xFFFFFF00]  }
0x10a: {  	v26 =	vld [tilespmem:s21+$0xFFFFFF10]  }
0x10b: {  	v27 =	vld [tilespmem:s20+$0xFFFFFF10]  }
0x10c: {  	v28 =	vld [tilespmem:s21+$0xFFFFFF20]  }
0x10d: {  	v29 =	vld [tilespmem:s20+$0xFFFFFF20]  }
0x10e: {  	v30 =	vld [tilespmem:s21+$0xFFFFFF30]  }
0x10f: {  	v31 =	vld [tilespmem:s20+$0xFFFFFF30]  }
0x110: {  	v32 =	vld [tilespmem:s21+$0xFFFFFF40]  }
0x111: {  	v33 =	vld [tilespmem:s20+$0xFFFFFF40]  }
0x112: {  	v34 =	vld [tilespmem:s21+$0xFFFFFF50]  }
0x113: {  	v35 =	vld [tilespmem:s20+$0xFFFFFF50]  }
0x114: {  	v36 =	vld [tilespmem:s21+$0xFFFFFF60]  }
0x115: {  	v37 =	vld [tilespmem:s20+$0xFFFFFF60]  }
0x116: {  	v38 =	vld [tilespmem:s21+$0xFFFFFF70]  }
0x117: {  	s21 =	simm.s32 $0xCD80;
	v39 =	vld [tilespmem:s20+$0xFFFFFF70]  }
0x118: {  	v40 =	vld [tilespmem:s21+$0x0]  }
0x119: {  	v41 =	vld [tilespmem:s21+$0x10]  }
0x11a: {  	v42 =	vld [tilespmem:s21+$0x20]  }
0x11b: {  	v43 =	vld [tilespmem:s21+$0x30]  }
0x11c: {  	v44 =	vld [tilespmem:s21+$0x40]  }
0x11d: {  	v45 =	vld [tilespmem:s21+$0x50]  }
0x11e: {  	v6 =	vadd.f32 v8, v6;
	v46 =	vld [tilespmem:s21+$0x60]  }
0x11f: {  	v47 =	vld [tilespmem:s21+$0x70]  }
0x120: {  	v6 =	vadd.f32 v7, v6;
	v7 =	vld [tilespmem:s21+$0xFFFFFF00]  }
0x121: {  	v48 =	vld [tilespmem:s21+$0xFFFFFF10]  }
0x122: {  	v5 =	vadd.f32 v5, v6;
	v6 =	vld [tilespmem:s21+$0xFFFFFF20]  }
0x123: {  	v49 =	vld [tilespmem:s21+$0xFFFFFF30]  }
0x124: {  	v3 =	vadd.f32 v3, v5;
	v5 =	vld [tilespmem:s21+$0xFFFFFF40]  }
0x125: {  	v50 =	vld [tilespmem:s21+$0xFFFFFF50];
	v4 =	vsub.f32 v4, v9;
	v8 =	vsub.f32 v10, v11  }
0x126: {  	v51 =	vld [tilespmem:s21+$0xFFFFFF60];
	v9 =	vsub.f32 v12, v13;
	v10 =	vsub.f32 v14, v15  }
0x127: {  	v52 =	vld [tilespmem:s21+$0xFFFFFF70];
	v11 =	vsub.f32 v16, v17;
	v12 =	vsub.f32 v18, v19  }
0x128: {  	v13 =	vsub.f32 v20, v21;
	v14 =	vsub.f32 v22, v23;
	v16 =	vld.idx.msk [tilespmem:v40+s6+$0x0], $0xffff  }
0x129: {  	v15 =	vsub.f32 v24, v25;
	v18 =	vsub.f32 v26, v27;
	v4 =	vmul.f32 v4, v4;
	v17 =	vld.idx.msk [tilespmem:v41+s6+$0x0], $0xffff  }
0x12a: {  	v19 =	vsub.f32 v28, v29;
	v21 =	vmul.f32 v8, v8;
	v24 =	vmul.f32 v9, v9;
	v20 =	vld.idx.msk [tilespmem:v42+s6+$0x0], $0xffff  }
0x12b: {  	v23 =	vsub.f32 v30, v31;
	v26 =	vmul.f32 v10, v10;
	v11 =	vmul.f32 v11, v11;
	v22 =	vld.idx.msk [tilespmem:v43+s6+$0x0], $0xffff  }
0x12c: {  	v10 =	vsub.f32 v32, v33;
	v28 =	vmul.f32 v12, v12;
	v9 =	vmul.f32 v13, v13;
	v27 =	vld.idx.msk [tilespmem:v44+s6+$0x0], $0xffff  }
0x12d: {  	v12 =	vsub.f32 v34, v35;
	v8 =	vmul.f32 v14, v14;
	v30 =	vmul.f32 v15, v15;
	v29 =	vld.idx.msk [tilespmem:v45+s6+$0x0], $0xffff  }
0x12e: {  	v31 =	vmul.f32 v18, v18;
	v13 =	vsub.f32 v36, v37;
	v63 =	vmul.f32 v19, v19;
	v7 =	vld.idx.msk [tilespmem:v7+s6+$0x0], $0xffff  }
0x12f: {  	v23 =	vmul.f32 v23, v23;
	v18 =	vsub.f32 v38, v39;
	v62 =	vld.idx.msk [tilespmem:v48+s6+$0x0], $0xffff;
	v15 =	vmul.f32 v10, v10  }
0x130: {  	v2 =	vadd.f32 v2, v3;
	v6 =	vld.idx.msk [tilespmem:v6+s6+$0x0], $0xffff;
	v14 =	vmul.f32 v12, v12;
	v13 =	vmul.f32 v13, v13  }
0x131: {  	v3 =	vld.idx.msk [tilespmem:v49+s6+$0x0], $0xffff;
	v10 =	vmul.f32 v18, v18;
	v18 =	vmul.f32 v4, v16  }
0x132: {  	v1 =	vadd.f32 v1, v2;
	v25 =	vld.idx.msk [tilespmem:v5+s6+$0x0], $0xffff;
	v19 =	vmul.f32 v21, v17;
	v17 =	vmul.f32 v24, v20  }
0x133: {  	v2 =	vimm.f32 $0.0e+00;
	v16 =	vmul.f32 v26, v22;
	v20 =	vld.idx.msk [tilespmem:v50+s6+$0x0], $0xffff;
	v12 =	vmul.f32 v11, v27  }
0x134: {  	v5 =	vimm.f32 $0.0e+00;
	v11 =	vmul.f32 v28, v29;
	v24 =	vld.idx.msk [tilespmem:v51+s6+$0x0], $0xffff;
	v27 =	vmul.f32 v30, v7  }
0x135: {  	v4 =	vadd.f32 v0, v1;
	v28 =	vmul.f32 v31, v62;
	v21 =	vld.idx.msk [tilespmem:v52+s6+$0x0], $0xffff;
	v29 =	vmul.f32 v63, v6  }
0x136: {  	v26 =	vmul.f32 v23, v3;
	v22 =	vld.idx.msk [tilespmem:v46+s6+$0x0], $0xffff;
	v7 =	vimm.f32 $0.0e+00;
	v6 =	vimm.f32 $0.0e+00  }
0x137: {  	s22 =	simm.s32 $0x0;
	s23 =	simm.s32 $0x780;
	v23 =	vld.idx.msk [tilespmem:v47+s6+$0x0], $0xffff;
	v3 =	vimm.f32 $0.0e+00;
	v1 =	vimm.f32 $0.0e+00;
	v0 =	vimm.f32 $0.0e+00  }
.LBB2_25:
0x138: {  	v30 =	vld [tilespmem:s23+$0x0];
	v4 =	vadd.f32 v27, v4;
	v5 =	vadd.f32 v28, v5;
	v15 =	vmul.f32 v15, v25;
	s20 =	sadd.s32 $0x200, s20  }
0x139: {  	v14 =	vmul.f32 v14, v20;
	v25 =	vld [tilespmem:s20+$0x0];
	v7 =	vadd.f32 v29, v7;
	v6 =	vadd.f32 v26, v6  }
0x13a: {  	v13 =	vmul.f32 v13, v24;
	v20 =	vld [tilespmem:s23+$0x10];
	v4 =	vadd.f32 v18, v4;
	v5 =	vadd.f32 v19, v5  }
0x13b: {  	v10 =	vmul.f32 v10, v21;
	v18 =	vld [tilespmem:s20+$0x10];
	v7 =	vadd.f32 v17, v7;
	v6 =	vadd.f32 v16, v6  }
0x13c: {  	v2 =	vadd.f32 v15, v2;
	v3 =	vadd.f32 v14, v3;
	v9 =	vmul.f32 v9, v22;
	v16 =	vld [tilespmem:s23+$0x20]  }
0x13d: {  	v1 =	vadd.f32 v13, v1;
	v0 =	vadd.f32 v10, v0;
	v8 =	vmul.f32 v8, v23;
	v14 =	vld [tilespmem:s20+$0x20]  }
0x13e: {  	v2 =	vadd.f32 v12, v2;
	v3 =	vadd.f32 v11, v3;
	v10 =	vld [tilespmem:s23+$0x30]  }
0x13f: {  	v1 =	vadd.f32 v9, v1;
	v0 =	vadd.f32 v8, v0;
	v11 =	vld [tilespmem:s20+$0x30]  }
0x140: {  	v8 =	vld [tilespmem:s23+$0x40]  }
0x141: {  	v9 =	vld [tilespmem:s20+$0x40]  }
0x142: {  	v12 =	vld [tilespmem:s23+$0x50]  }
0x143: {  	v13 =	vld [tilespmem:s20+$0x50]  }
0x144: {  	v15 =	vld [tilespmem:s23+$0x60]  }
0x145: {  	v17 =	vld [tilespmem:s20+$0x60]  }
0x146: {  	v19 =	vld [tilespmem:s23+$0x70]  }
0x147: {  	v21 =	vld [tilespmem:s20+$0x70]  }
0x148: {  	v22 =	vld [tilespmem:s23+$0xFFFFFF00]  }
0x149: {  	v23 =	vld [tilespmem:s20+$0xFFFFFF00]  }
0x14a: {  	v24 =	vld [tilespmem:s23+$0xFFFFFF10]  }
0x14b: {  	v26 =	vld [tilespmem:s20+$0xFFFFFF10]  }
0x14c: {  	v27 =	vld [tilespmem:s23+$0xFFFFFF20]  }
0x14d: {  	v28 =	vld [tilespmem:s20+$0xFFFFFF20]  }
0x14e: {  	v29 =	vld [tilespmem:s23+$0xFFFFFF30]  }
0x14f: {  	v31 =	vld [tilespmem:s20+$0xFFFFFF30]  }
0x150: {  	v32 =	vld [tilespmem:s23+$0xFFFFFF40]  }
0x151: {  	v33 =	vld [tilespmem:s20+$0xFFFFFF40]  }
0x152: {  	v34 =	vld [tilespmem:s23+$0xFFFFFF50]  }
0x153: {  	v35 =	vld [tilespmem:s20+$0xFFFFFF50]  }
0x154: {  	v36 =	vld [tilespmem:s23+$0xFFFFFF60]  }
0x155: {  	v37 =	vld [tilespmem:s20+$0xFFFFFF60]  }
0x156: {  	v38 =	vld [tilespmem:s23+$0xFFFFFF70]  }
0x157: {  	s21 =	sadd.s32 $0x200, s21;
	v39 =	vld [tilespmem:s20+$0xFFFFFF70]  }
0x158: {  	v40 =	vld [tilespmem:s21+$0x0]  }
0x159: {  	v41 =	vld [tilespmem:s21+$0x10]  }
0x15a: {  	v42 =	vld [tilespmem:s21+$0x20]  }
0x15b: {  	v43 =	vld [tilespmem:s21+$0x30]  }
0x15c: {  	v44 =	vld [tilespmem:s21+$0x40]  }
0x15d: {  	v45 =	vld [tilespmem:s21+$0x50]  }
0x15e: {  	v46 =	vld [tilespmem:s21+$0x60]  }
0x15f: {  	v47 =	vld [tilespmem:s21+$0x70]  }
0x160: {  	v48 =	vld [tilespmem:s21+$0xFFFFFF00]  }
0x161: {  	v49 =	vld [tilespmem:s21+$0xFFFFFF10]  }
0x162: {  	v50 =	vld [tilespmem:s21+$0xFFFFFF20]  }
0x163: {  	v51 =	vld [tilespmem:s21+$0xFFFFFF30]  }
0x164: {  	v52 =	vld [tilespmem:s21+$0xFFFFFF40]  }
0x165: {  	v53 =	vld [tilespmem:s21+$0xFFFFFF50]  }
0x166: {  	v25 =	vsub.f32 v30, v25;
	v18 =	vsub.f32 v20, v18;
	v54 =	vld [tilespmem:s21+$0xFFFFFF60]  }
0x167: {  	v14 =	vsub.f32 v16, v14;
	v10 =	vsub.f32 v10, v11;
	v30 =	vld [tilespmem:s21+$0xFFFFFF70]  }
0x168: {  	v8 =	vsub.f32 v8, v9;
	v9 =	vsub.f32 v12, v13;
	v11 =	vld.idx.msk [tilespmem:v40+s6+$0x0], $0xffff  }
0x169: {  	v13 =	vsub.f32 v15, v17;
	v15 =	vsub.f32 v19, v21;
	v12 =	vld.idx.msk [tilespmem:v41+s6+$0x0], $0xffff  }
0x16a: {  	v16 =	vsub.f32 v22, v23;
	v17 =	vsub.f32 v24, v26;
	v21 =	vld.idx.msk [tilespmem:v42+s6+$0x0], $0xffff  }
0x16b: {  	v22 =	vmul.f32 v25, v25;
	v23 =	vmul.f32 v18, v18;
	v19 =	vsub.f32 v27, v28;
	v26 =	vld.idx.msk [tilespmem:v43+s6+$0x0], $0xffff  }
0x16c: {  	v27 =	vmul.f32 v14, v14;
	v28 =	vmul.f32 v10, v10;
	v18 =	vsub.f32 v29, v31;
	v29 =	vld.idx.msk [tilespmem:v44+s6+$0x0], $0xffff  }
0x16d: {  	s22 =	sadd.s32 $0x100, s22;
	v31 =	vmul.f32 v8, v8;
	v10 =	vsub.f32 v32, v33;
	v33 =	vmul.f32 v9, v9;
	v32 =	vld.idx.msk [tilespmem:v45+s6+$0x0], $0xffff  }
0x16e: {  	p0 =	slt.u32 s22, $0x3100;
	v8 =	vmul.f32 v15, v15;
	v9 =	vmul.f32 v13, v13;
	v14 =	vsub.f32 v34, v35;
	v40 =	vld.idx.msk [tilespmem:v48+s6+$0x0], $0xffff  }
0x16f: {  	v34 =	vmul.f32 v16, v16;
	v13 =	vsub.f32 v36, v37;
	v41 =	vmul.f32 v17, v17;
	v35 =	vld.idx.msk [tilespmem:v49+s6+$0x0], $0xffff  }
0x170: {  	v37 =	vmul.f32 v19, v19;
	v16 =	vsub.f32 v38, v39;
	v42 =	vmul.f32 v18, v18;
	v36 =	vld.idx.msk [tilespmem:v50+s6+$0x0], $0xffff  }
0x171: {  	v15 =	vmul.f32 v10, v10;
	v14 =	vmul.f32 v14, v14;
	v38 =	vld.idx.msk [tilespmem:v51+s6+$0x0], $0xffff  }
0x172: {  	v13 =	vmul.f32 v13, v13;
	v10 =	vmul.f32 v16, v16;
	v25 =	vld.idx.msk [tilespmem:v52+s6+$0x0], $0xffff  }
.Ltmp11:
0x173: {  	v18 =	vmul.f32 v22, v11;
	v19 =	vmul.f32 v23, v12;
	v20 =	vld.idx.msk [tilespmem:v53+s6+$0x0], $0xffff;
	(pc) =	sbr.rel @p0 .LBB2_25-.Ltmp11, $4  }
0x174: {  	v17 =	vmul.f32 v27, v21;
	v16 =	vmul.f32 v28, v26;
	v24 =	vld.idx.msk [tilespmem:v54+s6+$0x0], $0xffff  }
0x175: {  	v12 =	vmul.f32 v31, v29;
	v11 =	vmul.f32 v33, v32;
	v21 =	vld.idx.msk [tilespmem:v30+s6+$0x0], $0xffff  }
0x176: {  	v27 =	vmul.f32 v34, v40;
	v28 =	vmul.f32 v41, v35;
	v22 =	vld.idx.msk [tilespmem:v46+s6+$0x0], $0xffff  }
0x177: {  	s23 =	sadd.s32 $0x200, s23;
	v29 =	vmul.f32 v37, v36;
	v26 =	vmul.f32 v42, v38;
	v23 =	vld.idx.msk [tilespmem:v47+s6+$0x0], $0xffff  }
0x178: {  	v4 =	vadd.f32 v27, v4;
	v5 =	vadd.f32 v28, v5  }
0x179: {  	v7 =	vadd.f32 v29, v7  }
0x17a: {  	v4 =	vadd.f32 v18, v4;
	v5 =	vadd.f32 v19, v5  }
0x17b: {  	v15 =	vmul.f32 v15, v25;
	v6 =	vadd.f32 v26, v6  }
0x17c: {  	v7 =	vadd.f32 v17, v7;
	v4 =	vadd.f32 v5, v4  }
0x17d: {  	v59 =	vmul.f32 v14, v20;
	v2 =	vadd.f32 v15, v2  }
0x17e: {  	v6 =	vadd.f32 v16, v6;
	v4 =	vadd.f32 v7, v4  }
0x17f: {  	v60 =	vmul.f32 v13, v24;
	v3 =	vadd.f32 v59, v3  }
0x180: {  	v2 =	vadd.f32 v12, v2;
	v4 =	vadd.f32 v6, v4  }
0x181: {  	v61 =	vmul.f32 v10, v21;
	v1 =	vadd.f32 v60, v1  }
0x182: {  	v62 =	vmul.f32 v9, v22;
	v3 =	vadd.f32 v11, v3;
	v2 =	vadd.f32 v2, v4  }
0x183: {  	s19 =	sadd.s32 $0x1, s19;
	v0 =	vadd.f32 v61, v0  }
0x184: {  	p0 =	sne.s32 s19, $0x4;
	v63 =	vmul.f32 v8, v23;
	v1 =	vadd.f32 v62, v1;
	v2 =	vadd.f32 v3, v2  }
.Ltmp12:
0x185: {  	_ = 	snop;
	(pc) =	sbr.rel @p0 .LBB2_8-.Ltmp12, $2  }
0x186: {  	v0 =	vadd.f32 v63, v0;
	v1 =	vadd.f32 v1, v2;
	_ =	sdelay $0x1  }
0x187: {  	v0 =	vadd.f32 v0, v1;
	_ =	sdelay $0x1  }
0x188: {  	s18 =	sadd.s32 $0x1, s18  }
0x189: {  	p0 =	sne.s32 s18, s13  }
.Ltmp13:
0x18a: {  	[tilespmem:$0x13000] =	vst v0;
	(pc) =	sbr.rel @p0 .LBB2_1-.Ltmp13, $4  }
0x18b: {  	[hbm4b:s12+s6] =	stream.linear.scatter [tilespmem:s17], [sflag:$0x3], $0x80, $0x38;
	[tilespmem:$0x13080] =	vst v63  }
0x18c: {  	_ =	swait.ge [sflag:s14], $0x80  }
0x18d: {  	[sflag:s14] =	ssyncset.done $0x0  }
0x18e: {  	[sflag:s14] =	ssyncadd.s32 $0xFFFFFF80  }
0x18f: {  	_ =	sfence.sel $0x180000  }
0x190: {  	[bflag:$0x0] =	sbarrier.arrive $0xFFFF  }
0x191: {  	p0 =	sne.s32 s0, $0x0;
	_ =	strace $0x90000047  }
0x192: {  	s0 =	sadd.s32 @!p0 $0x100000, s4;
	[bflag:$0x2] =	sbarrier.arrive $0xFFFF  }
0x193: {  	[sflag:s0] =	ssyncadd.tile.s32 @!p0 $0x1;
	_ =	shalt  }
.Lfunc_end2:
_tile_overlayer_lowered:
.L_overlay_start_2:
0x194: {  	(tag) =	ssettag $0x2  }
0x195: {  	s0 =	rddreg [dreg:$0x0];
	s2 =	stileid.u32  }
0x196: {  	s1 =	rddreg [dreg:$0x1];
	p0 =	sne.s32 s2, $0x0  }
0x197: {  	s3 =	rddreg [dreg:$0x2];
	[bflag:$0x3] =	sbarrier.arrive $0xFFFF;
	s2 =	simm.s32 @!p0 $0x1C03  }
0x198: {  	[timem:s3], [sflag:s2] =	dma.local @!p0 [hbm:s0], s1  }
0x199: {  	s0 =	simm.s32 @!p0 $0x3  }
0x19a: {  	_ =	swait.ge @!p0 [sflag:s0], s1  }
0x19b: {  	s1 =	ssub.s32 @!p0 $0x0, s1;
	[sflag:s0] =	ssyncset.done @!p0 $0x0  }
0x19c: {  	[sflag:s0] =	ssyncadd.s32 @!p0 s1  }
0x19d: {  	[bflag:$0x3] =	sbarrier.arrive $0xFFFF  }
0x19e: {  	_ =	shalt  }

</sc_bundles>
